<compile_context>
chip_gen: v7x
topology: tpu7x:2x2x1
jax: 0.10.2.dev20260603
libtpu: 0.0.44.dev20260713+nightly
codegen_flags: <defaults>
</compile_context>

<pallas_src>
import functools

import jax
import jax.numpy as jnp
from jax import lax
from jax.experimental import pallas as pl
from jax.experimental.pallas import tpu as pltpu
from jax.experimental.pallas import tpu_sc as plsc

N = 10000
E = 320000
DIN = 128
H = 64
G = 128

NC = 2
NS = 16
NW = NC * NS
CHUNK = 128
CPW = 80
NCH = NW * CPW
EPAD = NCH * CHUNK
ROWS = 10240
RPT = ROWS // NS

_MESH = dict(core_axis_name="c", subcore_axis_name="s",
             num_cores=NC, num_subcores=NS)


def _zero_f32_ref(ref, n):
    for k in range(n // 16):
        ref[pl.ds(16 * k, 16)] = jnp.zeros((16,), jnp.float32)



def _deg_body(ei_hbm, out_hbm, srr_out, dsr_out, dbuf, sbuf, lbuf, pbuf,
              dhist, tbuf, tmp, slab, semi, sems):
    c = lax.axis_index("c")
    s = lax.axis_index("s")
    w = c * NS + s
    epw = (E // (NW * CHUNK)) * CHUNK

    pltpu.make_async_copy(ei_hbm.at[1].at[pl.ds(w * epw, epw)], dbuf,
                          semi).start()
    pltpu.make_async_copy(ei_hbm.at[0].at[pl.ds(w * epw, epw)], sbuf,
                          sems).start()

    def zero_hist(j, carry):
        dhist[pl.ds(16 * j, 16)] = jnp.zeros((16,), jnp.float32)
        return carry

    lax.fori_loop(0, ROWS // 16, zero_hist, 0)
    pltpu.make_async_copy(ei_hbm.at[1].at[pl.ds(w * epw, epw)], dbuf,
                          semi).wait()
    pltpu.sync_copy(dbuf, dsr_out.at[pl.ds(w * epw, epw)])
    pltpu.make_async_copy(ei_hbm.at[0].at[pl.ds(w * epw, epw)], sbuf,
                          sems).wait()
    pltpu.sync_copy(sbuf, srr_out.at[pl.ds(w * epw, epw)])

    for k in range(16):
        pbuf[0, pl.ds(16 * k, 16)] = jnp.zeros((16,), jnp.int32)
        pbuf[1, pl.ds(16 * k, 16)] = jnp.full((16,), N, jnp.int32)
    pltpu.sync_copy(pbuf.at[0].at[pl.ds(0, 256)],
                    srr_out.at[pl.ds(E + w * 256, 256)])
    pltpu.sync_copy(pbuf.at[1].at[pl.ds(0, 256)],
                    dsr_out.at[pl.ds(E + w * 256, 256)])

    ones = jnp.ones((16,), jnp.float32)

    def hist(j, carry):
        idx = dbuf[pl.ds(16 * j, 16)]
        plsc.addupdate_scatter(dhist, [idx], ones)
        return carry

    lax.fori_loop(0, epw // 16, hist, 0)

    @pl.when(w < 4)
    def _():
        pltpu.sync_copy(
            ei_hbm.at[1].at[pl.ds(NW * epw + w * CHUNK, CHUNK)], lbuf)
        pltpu.sync_copy(lbuf, dsr_out.at[pl.ds(NW * epw + w * CHUNK, CHUNK)])

        def histl(j, carry):
            idx = lbuf[pl.ds(16 * j, 16)]
            plsc.addupdate_scatter(dhist, [idx], ones)
            return carry

        lax.fori_loop(0, CHUNK // 16, histl, 0)
        pltpu.sync_copy(
            ei_hbm.at[0].at[pl.ds(NW * epw + w * CHUNK, CHUNK)], lbuf)
        pltpu.sync_copy(lbuf, srr_out.at[pl.ds(NW * epw + w * CHUNK, CHUNK)])
        pltpu.sync_copy(
            pbuf.at[0].at[pl.ds(0, CHUNK)],
            srr_out.at[pl.ds(E + NW * 256 + w * CHUNK, CHUNK)])
        pltpu.sync_copy(
            pbuf.at[1].at[pl.ds(0, CHUNK)],
            dsr_out.at[pl.ds(E + NW * 256 + w * CHUNK, CHUNK)])

    pltpu.sync_copy(dhist, slab.at[s])
    plsc.subcore_barrier()
    pltpu.sync_copy(slab.at[:, pl.ds(s * RPT, RPT)], tbuf)

    def red(j, carry):
        o = 16 * j
        v = tbuf[0, pl.ds(o, 16)]
        for k in range(1, NS):
            v = v + tbuf[k, pl.ds(o, 16)]
        tmp[pl.ds(o, 16)] = v
        return carry

    lax.fori_loop(0, RPT // 16, red, 0)
    pltpu.sync_copy(tmp, out_hbm.at[c].at[pl.ds(s * RPT, RPT)])


@functools.partial(jax.jit)
def _deg_call(ei):
    epw = (E // (NW * CHUNK)) * CHUNK
    return pl.kernel(
        _deg_body,
        out_type=[
            jax.ShapeDtypeStruct((NC, ROWS), jnp.float32),
            jax.ShapeDtypeStruct(((NCH + 8) * CHUNK,), jnp.int32),
            jax.ShapeDtypeStruct(((NCH + 8) * CHUNK,), jnp.int32),
        ],
        mesh=plsc.VectorSubcoreMesh(**_MESH),
        scratch_types=[
            pltpu.VMEM((epw,), jnp.int32),
            pltpu.VMEM((epw,), jnp.int32),
            pltpu.VMEM((CHUNK,), jnp.int32),
            pltpu.VMEM((2, 256), jnp.int32),
            pltpu.VMEM((ROWS,), jnp.float32),
            pltpu.VMEM((NS, RPT), jnp.float32),
            pltpu.VMEM((RPT,), jnp.float32),
            pltpu.VMEM_SHARED((NS, ROWS), jnp.float32),
            pltpu.SemaphoreType.DMA,
            pltpu.SemaphoreType.DMA,
        ],
        compiler_params=pltpu.CompilerParams(needs_layout_passes=False),
    )(ei)



def _scatter_body(y_hbm, sr_hbm, dr_hbm, out_hbm, ib0s, ib0d, ib1s, ib1d,
                  rb0, rb1, rb2, rb3, zbuf, acc, ytab,
                  sg0, sg1, sg2, sg3, ss0, ss1, ss2, ss3,
                  si0s, si0d, si1s, si1d, semy):
    c = lax.axis_index("c")
    s = lax.axis_index("s")
    w = c * NS + s

    pltpu.make_async_copy(y_hbm.at[pl.ds(s * (N // NS), N // NS)],
                          ytab.at[pl.ds(s * (N // NS), N // NS)],
                          semy).start()

    for r in range(16):
        for k in range(H // 16):
            zbuf[r, pl.ds(16 * k, 16)] = jnp.zeros((16,), jnp.float32)

    def zloop(j, carry):
        pltpu.sync_copy(zbuf, acc.at[pl.ds(s * RPT + 16 * j, 16)])
        return carry

    lax.fori_loop(0, RPT // 16, zloop, 0)
    pltpu.make_async_copy(y_hbm.at[pl.ds(s * (N // NS), N // NS)],
                          ytab.at[pl.ds(s * (N // NS), N // NS)],
                          semy).wait()
    plsc.subcore_barrier()

    wbase = w * CPW
    rb = (rb0, rb1, rb2, rb3)
    sg = (sg0, sg1, sg2, sg3)

    def gath(ibs, k, r):
        return pltpu.make_async_copy(ytab.at[ibs.at[k]], rb[r], sg[r])

    def lds(ibs, ibd, c, lds_, ldd_):
        return (pltpu.make_async_copy(sr_hbm.at[pl.ds(c, 4)], ibs, lds_),
                pltpu.make_async_copy(dr_hbm.at[pl.ds(c, 4)], ibd, ldd_))

    def quarter(ibXs, ibXd, ibYs, ibYd, c, ldX, ldY):
        gath(ibXs, 0, 0).wait()
        d0 = pltpu.async_copy(rb0, acc.at[ibXd.at[0]], ss0, add=True)
        gath(ibXs, 2, 2).start()
        gath(ibXs, 1, 1).wait()
        d1 = pltpu.async_copy(rb1, acc.at[ibXd.at[1]], ss1, add=True)
        gath(ibXs, 3, 3).start()
        for cp in lds(ibYs, ibYd, c + 4, *ldY):
            cp.wait()
        d0.wait()
        gath(ibYs, 0, 0).start()
        gath(ibXs, 2, 2).wait()
        d2 = pltpu.async_copy(rb2, acc.at[ibXd.at[2]], ss2, add=True)
        d1.wait()
        gath(ibYs, 1, 1).start()
        gath(ibXs, 3, 3).wait()
        d3 = pltpu.async_copy(rb3, acc.at[ibXd.at[3]], ss3, add=True)
        d2.wait()
        d3.wait()
        for cp in lds(ibXs, ibXd, c + 8, *ldX):
            cp.start()

    pltpu.sync_copy(sr_hbm.at[pl.ds(wbase, 4)], ib0s)
    pltpu.sync_copy(dr_hbm.at[pl.ds(wbase, 4)], ib0d)
    for cp in lds(ib1s, ib1d, wbase + 4, si1s, si1d):
        cp.start()
    gath(ib0s, 0, 0).start()
    gath(ib0s, 1, 1).start()

    def body(u, carry):
        c = wbase + 8 * u
        quarter(ib0s, ib0d, ib1s, ib1d, c, (si0s, si0d), (si1s, si1d))
        quarter(ib1s, ib1d, ib0s, ib0d, c + 4, (si1s, si1d), (si0s, si0d))
        return carry

    lax.fori_loop(0, CPW // 8, body, 0)
    gath(ib0s, 0, 0).wait()
    gath(ib0s, 1, 1).wait()
    for cp in lds(ib1s, ib1d, wbase + CPW + 4, si1s, si1d):
        cp.wait()
    plsc.subcore_barrier()
    pltpu.sync_copy(acc.at[pl.ds(s * RPT, RPT)],
                    out_hbm.at[c].at[pl.ds(s * RPT, RPT)])


@functools.partial(jax.jit)
def _scatter_call(y, srr, dsr):
    return pl.kernel(
        _scatter_body,
        out_type=jax.ShapeDtypeStruct((NC, ROWS, H), jnp.float32),
        mesh=plsc.VectorSubcoreMesh(**_MESH),
        scratch_types=(
            [pltpu.VMEM((4, CHUNK), jnp.int32)] * 4
            + [pltpu.VMEM((CHUNK, H), jnp.float32)] * 4
            + [pltpu.VMEM((16, H), jnp.float32),
               pltpu.VMEM_SHARED((ROWS, H), jnp.float32),
               pltpu.VMEM_SHARED((N, H), jnp.float32)]
            + [pltpu.SemaphoreType.DMA] * 13
        ),
        compiler_params=pltpu.CompilerParams(use_tc_tiling_on_sc=False),
    )(y, srr, dsr)



RB = 2000
NBLK = N // RB


def _t1a_body(x_ref, w1_ref, xw_ref):
    xw_ref[...] = jnp.dot(x_ref[...], w1_ref[...],
                          preferred_element_type=jnp.float32)


def _t1a(x, W1):
    return pl.pallas_call(
        _t1a_body,
        grid=(NBLK,),
        in_specs=[
            pl.BlockSpec((RB, DIN), lambda i: (i, 0)),
            pl.BlockSpec((DIN, H), lambda i: (0, 0)),
        ],
        out_specs=pl.BlockSpec((RB, H), lambda i: (i, 0)),
        out_shape=jax.ShapeDtypeStruct((N, H), jnp.float32),
    )(x, W1)


def _t1b_body(xw_ref, degt_ref, y_ref):
    deg = degt_ref[:, 0:1] + degt_ref[:, 1:2] + 1.0
    y_ref[...] = xw_ref[...] * lax.rsqrt(deg)


def _t1b(xw, degt):
    return pl.pallas_call(
        _t1b_body,
        grid=(NBLK,),
        in_specs=[
            pl.BlockSpec((RB, H), lambda i: (i, 0)),
            pl.BlockSpec((RB, 2), lambda i: (i, 0)),
        ],
        out_specs=pl.BlockSpec((RB, H), lambda i: (i, 0)),
        out_shape=jax.ShapeDtypeStruct((N, H), jnp.float32),
    )(xw, degt)


def _t2_body(acc_ref, xw1_ref, degt_ref, w2_ref, b1_ref, y_ref, z_ref):
    deg = degt_ref[:, 0:1] + degt_ref[:, 1:2] + 1.0
    dis = lax.rsqrt(deg)
    a = acc_ref[0] + acc_ref[1]
    h1 = jnp.maximum(a * dis + xw1_ref[...] / deg + b1_ref[...], 0.0)
    xw = jnp.dot(h1, w2_ref[...], preferred_element_type=jnp.float32)
    y_ref[...] = xw * dis
    z_ref[...] = xw / deg


def _t2(acc1, xw1, degt, W2, b1r):
    return pl.pallas_call(
        _t2_body,
        grid=(NBLK,),
        in_specs=[
            pl.BlockSpec((NC, RB, H), lambda i: (0, i, 0)),
            pl.BlockSpec((RB, H), lambda i: (i, 0)),
            pl.BlockSpec((RB, 2), lambda i: (i, 0)),
            pl.BlockSpec((H, H), lambda i: (0, 0)),
            pl.BlockSpec((1, H), lambda i: (0, 0)),
        ],
        out_specs=[
            pl.BlockSpec((RB, H), lambda i: (i, 0)),
            pl.BlockSpec((RB, H), lambda i: (i, 0)),
        ],
        out_shape=[
            jax.ShapeDtypeStruct((N, H), jnp.float32),
            jax.ShapeDtypeStruct((N, H), jnp.float32),
        ],
    )(acc1, xw1, degt, W2, b1r)


def _t3_body(acc_ref, z2_ref, degt_ref, bcol_ref, b2_ref, wl1_ref, bl1_ref,
             wl2_ref, bl2_ref, out_ref, gsum, cnt):
    i = pl.program_id(0)

    @pl.when(i == 0)
    def _():
        gsum[...] = jnp.zeros((G, H), jnp.float32)
        cnt[...] = jnp.zeros((G, 1), jnp.float32)

    deg = degt_ref[:, 0:1] + degt_ref[:, 1:2] + 1.0
    dis = lax.rsqrt(deg)
    h2 = (acc_ref[0] + acc_ref[1]) * dis + z2_ref[...] + b2_ref[...]
    pt = (bcol_ref[...] == lax.broadcasted_iota(jnp.int32, (1, G), 1))
    pt = pt.astype(jnp.float32)
    dn = (((0,), (0,)), ((), ()))
    gsum[...] += lax.dot_general(pt, h2, dn,
                                 preferred_element_type=jnp.float32)
    cnt[...] += lax.dot_general(pt, jnp.ones((RB, 1), jnp.float32), dn,
                                preferred_element_type=jnp.float32)

    @pl.when(i == NBLK - 1)
    def _():
        g = gsum[...] / jnp.maximum(cnt[...], 1.0)
        g = jnp.dot(g, wl1_ref[...],
                    preferred_element_type=jnp.float32) + bl1_ref[...]
        g = jnp.dot(g, wl2_ref[...],
                    preferred_element_type=jnp.float32) + bl2_ref[...]
        m = jnp.max(g, axis=0, keepdims=True)
        e = jnp.exp(g - m)
        out_ref[...] = e / jnp.sum(e, axis=0, keepdims=True)


def _t3(acc2, z2, degt, bcol, b2r, Wl1, bl1r, Wl2, bl2r):
    return pl.pallas_call(
        _t3_body,
        grid=(NBLK,),
        in_specs=[
            pl.BlockSpec((NC, RB, H), lambda i: (0, i, 0)),
            pl.BlockSpec((RB, H), lambda i: (i, 0)),
            pl.BlockSpec((RB, 2), lambda i: (i, 0)),
            pl.BlockSpec((RB, 1), lambda i: (i, 0)),
            pl.BlockSpec((1, H), lambda i: (0, 0)),
            pl.BlockSpec((H, 32), lambda i: (0, 0)),
            pl.BlockSpec((1, 32), lambda i: (0, 0)),
            pl.BlockSpec((32, 2), lambda i: (0, 0)),
            pl.BlockSpec((1, 2), lambda i: (0, 0)),
        ],
        out_specs=pl.BlockSpec((G, 2), lambda i: (0, 0)),
        out_shape=jax.ShapeDtypeStruct((G, 2), jnp.float32),
        scratch_shapes=[
            pltpu.VMEM((G, H), jnp.float32),
            pltpu.VMEM((G, 1), jnp.float32),
        ],
    )(acc2, z2, degt, bcol, b2r, Wl1, bl1r, Wl2, bl2r)



def kernel(x, edge_index, batch, W1, b1, W2, b2, Wl1, bl1, Wl2, bl2):
    ei32 = edge_index.astype(jnp.int32)
    degp, srr, dsr = _deg_call(ei32)
    srr = srr.reshape(NCH + 8, CHUNK)
    dsr = dsr.reshape(NCH + 8, CHUNK)
    degt = degp.T[:N]

    xw1 = _t1a(x, W1)
    y1 = _t1b(xw1, degt)
    acc1 = _scatter_call(y1, srr, dsr)
    y2, z2 = _t2(acc1, xw1, degt, W2, b1.reshape(1, H))
    acc2 = _scatter_call(y2, srr, dsr)
    return _t3(acc2, z2, degt, batch.astype(jnp.int32).reshape(N, 1),
               b2.reshape(1, H), Wl1, bl1.reshape(1, 32),
               Wl2, bl2.reshape(1, 2))

# --- scband reference (transcript-rebuilt; emitter-appended) ---
"""Pipeline reference for scband-original-model-39968965657064 (READ-ONLY COPY).

The authoritative reference and input builder live on the scoring server;
editing this copy changes nothing except your own understanding.
"""

import jax, jax.numpy as jnp
import numpy as np

N_NODES = 10000
N_EDGES = 320000
D_IN = 128
H = 64
NUM_GRAPHS = 128


def setup_inputs(seed: int = 0) -> dict:
    key = jax.random.key(seed)
    ks = jax.random.split(key, 12)
    x = jax.random.normal(ks[0], (N_NODES, D_IN), dtype=jnp.float32)
    edge_index = jax.random.randint(ks[1], (2, N_EDGES), 0, N_NODES, dtype=jnp.int64 if jax.config.jax_enable_x64 else jnp.int32)
    batch = jnp.sort(jax.random.randint(ks[2], (N_NODES,), 0, NUM_GRAPHS, dtype=jnp.int64 if jax.config.jax_enable_x64 else jnp.int32))
    def glorot(k, shape):
        lim = np.sqrt(6.0 / (shape[0] + shape[1]))
        return jax.random.uniform(k, shape, dtype=jnp.float32, minval=-lim, maxval=lim)
    W1 = glorot(ks[3], (D_IN, H)); b1 = jnp.zeros((H,), jnp.float32)
    W2 = glorot(ks[4], (H, H)); b2 = jnp.zeros((H,), jnp.float32)
    Wl1 = glorot(ks[5], (H, 32)); bl1 = jnp.zeros((32,), jnp.float32)
    Wl2 = glorot(ks[6], (32, 2)); bl2 = jnp.zeros((2,), jnp.float32)
    return {"x": x, "edge_index": edge_index, "batch": batch,
            "W1": W1, "b1": b1, "W2": W2, "b2": b2,
            "Wl1": Wl1, "bl1": bl1, "Wl2": Wl2, "bl2": bl2}


def _gcn_conv(x, src, dst, W, b, num_nodes):
    # PyG GCNConv: add self loops, symmetric normalization, linear transform
    loop = jnp.arange(num_nodes, dtype=src.dtype)
    s = jnp.concatenate([src, loop])
    d = jnp.concatenate([dst, loop])
    deg = jnp.zeros((num_nodes,), jnp.float32).at[d].add(1.0)
    dis = jnp.where(deg > 0, deg ** -0.5, 0.0)
    norm = dis[s] * dis[d]
    xw = x @ W
    msg = xw[s] * norm[:, None]
    out = jnp.zeros((num_nodes, W.shape[1]), jnp.float32).at[d].add(msg)
    return out + b


def _global_mean_pool(x, batch, num_graphs):
    sums = jax.ops.segment_sum(x, batch, num_segments=num_graphs)
    counts = jax.ops.segment_sum(jnp.ones((x.shape[0],), jnp.float32), batch, num_segments=num_graphs)
    return sums / jnp.maximum(counts, 1.0)[:, None]


def reference(x, edge_index, batch, W1, b1, W2, b2, Wl1, bl1, Wl2, bl2):
    src, dst = edge_index[0], edge_index[1]
    h = _gcn_conv(x, src, dst, W1, b1, N_NODES)
    h = jax.nn.relu(h)
    # dropout is identity in eval mode
    h = _gcn_conv(h, src, dst, W2, b2, N_NODES)
    g = _global_mean_pool(h, batch, NUM_GRAPHS)
    g = g @ Wl1 + bl1
    g = g @ Wl2 + bl2
    return jax.nn.softmax(g, axis=0)

if __name__ == "__main__":
    import jax
    _d = setup_inputs()
    print(jax.jit(kernel)(*tuple(_d.values())))

</pallas_src>

<mosaic_0001>
#map = affine_map<(d0, d1) -> (0, 0)>
#map1 = affine_map<(d0, d1) -> (0)>
module attributes {stable_mosaic.version = 14 : i64} {
  func.func @_deg_body(%arg0: i32, %arg1: i32, %arg2: memref<2x320000xi32, #tpu.memory_space<hbm>>, %arg3: memref<2x10240xf32, #tpu.memory_space<hbm>>, %arg4: memref<328704xi32, #tpu.memory_space<hbm>>, %arg5: memref<328704xi32, #tpu.memory_space<hbm>>, %arg6: memref<9984xi32, #tpu.memory_space<vmem>>, %arg7: memref<9984xi32, #tpu.memory_space<vmem>>, %arg8: memref<128xi32, #tpu.memory_space<vmem>>, %arg9: memref<2x256xi32, #tpu.memory_space<vmem>>, %arg10: memref<10240xf32, #tpu.memory_space<vmem>>, %arg11: memref<16x640xf32, #tpu.memory_space<vmem>>, %arg12: memref<640xf32, #tpu.memory_space<vmem>>, %arg13: memref<16x10240xf32, #tpu.memory_space<vmem_shared>>, %arg14: memref<!tpu.dma_semaphore, #tpu.memory_space<semaphore_mem>>, %arg15: memref<!tpu.dma_semaphore, #tpu.memory_space<semaphore_mem>>) attributes {dimension_semantics = [#tpu.dimension_semantics<core_parallel>, #tpu.dimension_semantics<subcore_parallel>], iteration_bounds = array<i64: 2, 16>, scalar_prefetch = 0 : i64, scratch_operands = 10 : i64, tpu.core_type = #tpu.core_type<sc_vector_subcore>, window_params = [{transform_indices = #map}, {transform_indices = #map}, {transform_indices = #map1}, {transform_indices = #map1}]} {
    %mul3A = arith.constant 16 : i32
    %mul3A_0 = arith.muli %arg0, %mul3A : i32
    %add3A = arith.addi %mul3A_0, %arg1 : i32
    %mul3A_1 = arith.constant 9984 : i32
    %mul3A_2 = arith.muli %add3A, %mul3A_1 : i32
    %dma_start3A = arith.constant 1 : i32
    %dma_start3A_3 = arith.constant 0 : i32
    %dma_start3A_4 = tpu.memref_slice %arg2[%dma_start3A, %dma_start3A_3] : memref<2x320000xi32, #tpu.memory_space<hbm>> -> memref<1x320000xi32, #tpu.memory_space<hbm>>
    %dma_start3A_5 = tpu.memref_squeeze %dma_start3A_4 : memref<1x320000xi32, #tpu.memory_space<hbm>> -> memref<320000xi32, #tpu.memory_space<hbm>>
    %dma_start3A_6 = tpu.memref_slice %dma_start3A_5[%mul3A_2] : memref<320000xi32, #tpu.memory_space<hbm>> -> memref<9984xi32, #tpu.memory_space<hbm>>
    %dma_start3A_7 = arith.constant 0 : i32
    %dma_start3A_8 = tpu.memref_slice %arg2[%dma_start3A, %dma_start3A_7] : memref<2x320000xi32, #tpu.memory_space<hbm>> -> memref<1x320000xi32, #tpu.memory_space<hbm>>
    %dma_start3A_9 = tpu.memref_squeeze %dma_start3A_8 : memref<1x320000xi32, #tpu.memory_space<hbm>> -> memref<320000xi32, #tpu.memory_space<hbm>>
    %dma_start3A_10 = tpu.memref_slice %dma_start3A_9[%mul3A_2] : memref<320000xi32, #tpu.memory_space<hbm>> -> memref<9984xi32, #tpu.memory_space<hbm>>
    tpu.enqueue_dma source(%dma_start3A_10 : memref<9984xi32, #tpu.memory_space<hbm>>) target(%arg6 : memref<9984xi32, #tpu.memory_space<vmem>>) target_semaphore(%arg14 : memref<!tpu.dma_semaphore, #tpu.memory_space<semaphore_mem>>)
    %mul3A_11 = arith.constant 9984 : i32
    %mul3A_12 = arith.muli %add3A, %mul3A_11 : i32
    %dma_start3A_13 = arith.constant 0 : i32
    %dma_start3A_14 = arith.constant 0 : i32
    %dma_start3A_15 = tpu.memref_slice %arg2[%dma_start3A_13, %dma_start3A_14] : memref<2x320000xi32, #tpu.memory_space<hbm>> -> memref<1x320000xi32, #tpu.memory_space<hbm>>
    %dma_start3A_16 = tpu.memref_squeeze %dma_start3A_15 : memref<1x320000xi32, #tpu.memory_space<hbm>> -> memref<320000xi32, #tpu.memory_space<hbm>>
    %dma_start3A_17 = tpu.memref_slice %dma_start3A_16[%mul3A_12] : memref<320000xi32, #tpu.memory_space<hbm>> -> memref<9984xi32, #tpu.memory_space<hbm>>
    %dma_start3A_18 = arith.constant 0 : i32
    %dma_start3A_19 = tpu.memref_slice %arg2[%dma_start3A_13, %dma_start3A_18] : memref<2x320000xi32, #tpu.memory_space<hbm>> -> memref<1x320000xi32, #tpu.memory_space<hbm>>
    %dma_start3A_20 = tpu.memref_squeeze %dma_start3A_19 : memref<1x320000xi32, #tpu.memory_space<hbm>> -> memref<320000xi32, #tpu.memory_space<hbm>>
    %dma_start3A_21 = tpu.memref_slice %dma_start3A_20[%mul3A_12] : memref<320000xi32, #tpu.memory_space<hbm>> -> memref<9984xi32, #tpu.memory_space<hbm>>
    tpu.enqueue_dma source(%dma_start3A_21 : memref<9984xi32, #tpu.memory_space<hbm>>) target(%arg7 : memref<9984xi32, #tpu.memory_space<vmem>>) target_semaphore(%arg15 : memref<!tpu.dma_semaphore, #tpu.memory_space<semaphore_mem>>)
    %scan3A = arith.constant 0 : i32
    %scan3A_22 = arith.constant 0 : i32
    %scan3A_23 = arith.constant 640 : i32
    %scan3A_24 = arith.addi %scan3A_22, %scan3A_23 : i32
    %scan3A_25 = arith.constant 1 : i32
    scf.for %scan3A_271 = %scan3A_22 to %scan3A_24 step %scan3A_25  : i32 {
      %broadcast_in_dim3A_272 = arith.constant 0.000000e+00 : f32
      %broadcast_in_dim3A_273 = vector.broadcast %broadcast_in_dim3A_272 : f32 to vector<16xf32>
      %mul3A_274 = arith.constant 16 : i32
      %mul3A_275 = arith.muli %mul3A_274, %scan3A_271 : i32
      %swap3A_276 = arith.index_cast %mul3A_275 : i32 to index
      %swap3A_277 = tpu.vector_load %arg10[%swap3A_276] {strides = array<i32>} : memref<10240xf32, #tpu.memory_space<vmem>>, vector<16xf32>,
      tpu.vector_store %arg10[%swap3A_276], %broadcast_in_dim3A_273 {strides = array<i32>} : memref<10240xf32, #tpu.memory_space<vmem>>, vector<16xf32>,
    }
    %scan3A_26 = arith.constant 640 : i32
    %mul3A_27 = arith.constant 9984 : i32
    %mul3A_28 = arith.muli %add3A, %mul3A_27 : i32
    %dma_wait3A = arith.constant 1 : i32
    %dma_wait3A_29 = arith.constant 0 : i32
    %dma_wait3A_30 = tpu.memref_slice %arg2[%dma_wait3A, %dma_wait3A_29] : memref<2x320000xi32, #tpu.memory_space<hbm>> -> memref<1x320000xi32, #tpu.memory_space<hbm>>
    %dma_wait3A_31 = tpu.memref_squeeze %dma_wait3A_30 : memref<1x320000xi32, #tpu.memory_space<hbm>> -> memref<320000xi32, #tpu.memory_space<hbm>>
    %dma_wait3A_32 = tpu.memref_slice %dma_wait3A_31[%mul3A_28] : memref<320000xi32, #tpu.memory_space<hbm>> -> memref<9984xi32, #tpu.memory_space<hbm>>
    %dma_wait3A_33 = arith.constant 0 : i32
    %dma_wait3A_34 = tpu.memref_slice %arg2[%dma_wait3A, %dma_wait3A_33] : memref<2x320000xi32, #tpu.memory_space<hbm>> -> memref<1x320000xi32, #tpu.memory_space<hbm>>
    %dma_wait3A_35 = tpu.memref_squeeze %dma_wait3A_34 : memref<1x320000xi32, #tpu.memory_space<hbm>> -> memref<320000xi32, #tpu.memory_space<hbm>>
    %dma_wait3A_36 = tpu.memref_slice %dma_wait3A_35[%mul3A_28] : memref<320000xi32, #tpu.memory_space<hbm>> -> memref<9984xi32, #tpu.memory_space<hbm>>
    tpu.wait_dma2 semaphore(%arg14 : memref<!tpu.dma_semaphore, #tpu.memory_space<semaphore_mem>>) src(%dma_wait3A_36 : memref<9984xi32, #tpu.memory_space<hbm>>) dst(%arg6 : memref<9984xi32, #tpu.memory_space<vmem>>)
    %mul3A_37 = arith.constant 9984 : i32
    %mul3A_38 = arith.muli %add3A, %mul3A_37 : i32
    "tpu.region"() ({
      %run_scoped3A_271 = tpu.sem_alloc : memref<!tpu.dma_semaphore, #tpu.memory_space<semaphore_mem>>
      %dma_start3A_272 = tpu.memref_slice %arg5[%mul3A_38] : memref<328704xi32, #tpu.memory_space<hbm>> -> memref<9984xi32, #tpu.memory_space<hbm>>
      %dma_start3A_273 = tpu.memref_slice %arg5[%mul3A_38] : memref<328704xi32, #tpu.memory_space<hbm>> -> memref<9984xi32, #tpu.memory_space<hbm>>
      tpu.enqueue_dma source(%arg6 : memref<9984xi32, #tpu.memory_space<vmem>>) target(%dma_start3A_273 : memref<9984xi32, #tpu.memory_space<hbm>>) target_semaphore(%run_scoped3A_271 : memref<!tpu.dma_semaphore, #tpu.memory_space<semaphore_mem>>)
      %dma_wait3A_274 = tpu.memref_slice %arg5[%mul3A_38] : memref<328704xi32, #tpu.memory_space<hbm>> -> memref<9984xi32, #tpu.memory_space<hbm>>
      %dma_wait3A_275 = tpu.memref_slice %arg5[%mul3A_38] : memref<328704xi32, #tpu.memory_space<hbm>> -> memref<9984xi32, #tpu.memory_space<hbm>>
      tpu.wait_dma2 semaphore(%run_scoped3A_271 : memref<!tpu.dma_semaphore, #tpu.memory_space<semaphore_mem>>) src(%arg6 : memref<9984xi32, #tpu.memory_space<vmem>>) dst(%dma_wait3A_275 : memref<9984xi32, #tpu.memory_space<hbm>>)
      tpu.yield
    }) : () -> ()
    %mul3A_39 = arith.constant 9984 : i32
    %mul3A_40 = arith.muli %add3A, %mul3A_39 : i32
    %dma_wait3A_41 = arith.constant 0 : i32
    %dma_wait3A_42 = arith.constant 0 : i32
    %dma_wait3A_43 = tpu.memref_slice %arg2[%dma_wait3A_41, %dma_wait3A_42] : memref<2x320000xi32, #tpu.memory_space<hbm>> -> memref<1x320000xi32, #tpu.memory_space<hbm>>
    %dma_wait3A_44 = tpu.memref_squeeze %dma_wait3A_43 : memref<1x320000xi32, #tpu.memory_space<hbm>> -> memref<320000xi32, #tpu.memory_space<hbm>>
    %dma_wait3A_45 = tpu.memref_slice %dma_wait3A_44[%mul3A_40] : memref<320000xi32, #tpu.memory_space<hbm>> -> memref<9984xi32, #tpu.memory_space<hbm>>
    %dma_wait3A_46 = arith.constant 0 : i32
    %dma_wait3A_47 = tpu.memref_slice %arg2[%dma_wait3A_41, %dma_wait3A_46] : memref<2x320000xi32, #tpu.memory_space<hbm>> -> memref<1x320000xi32, #tpu.memory_space<hbm>>
    %dma_wait3A_48 = tpu.memref_squeeze %dma_wait3A_47 : memref<1x320000xi32, #tpu.memory_space<hbm>> -> memref<320000xi32, #tpu.memory_space<hbm>>
    %dma_wait3A_49 = tpu.memref_slice %dma_wait3A_48[%mul3A_40] : memref<320000xi32, #tpu.memory_space<hbm>> -> memref<9984xi32, #tpu.memory_space<hbm>>
    tpu.wait_dma2 semaphore(%arg15 : memref<!tpu.dma_semaphore, #tpu.memory_space<semaphore_mem>>) src(%dma_wait3A_49 : memref<9984xi32, #tpu.memory_space<hbm>>) dst(%arg7 : memref<9984xi32, #tpu.memory_space<vmem>>)
    %mul3A_50 = arith.constant 9984 : i32
    %mul3A_51 = arith.muli %add3A, %mul3A_50 : i32
    "tpu.region"() ({
      %run_scoped3A_271 = tpu.sem_alloc : memref<!tpu.dma_semaphore, #tpu.memory_space<semaphore_mem>>
      %dma_start3A_272 = tpu.memref_slice %arg4[%mul3A_51] : memref<328704xi32, #tpu.memory_space<hbm>> -> memref<9984xi32, #tpu.memory_space<hbm>>
      %dma_start3A_273 = tpu.memref_slice %arg4[%mul3A_51] : memref<328704xi32, #tpu.memory_space<hbm>> -> memref<9984xi32, #tpu.memory_space<hbm>>
      tpu.enqueue_dma source(%arg7 : memref<9984xi32, #tpu.memory_space<vmem>>) target(%dma_start3A_273 : memref<9984xi32, #tpu.memory_space<hbm>>) target_semaphore(%run_scoped3A_271 : memref<!tpu.dma_semaphore, #tpu.memory_space<semaphore_mem>>)
      %dma_wait3A_274 = tpu.memref_slice %arg4[%mul3A_51] : memref<328704xi32, #tpu.memory_space<hbm>> -> memref<9984xi32, #tpu.memory_space<hbm>>
      %dma_wait3A_275 = tpu.memref_slice %arg4[%mul3A_51] : memref<328704xi32, #tpu.memory_space<hbm>> -> memref<9984xi32, #tpu.memory_space<hbm>>
      tpu.wait_dma2 semaphore(%run_scoped3A_271 : memref<!tpu.dma_semaphore, #tpu.memory_space<semaphore_mem>>) src(%arg7 : memref<9984xi32, #tpu.memory_space<vmem>>) dst(%dma_wait3A_275 : memref<9984xi32, #tpu.memory_space<hbm>>)
      tpu.yield
    }) : () -> ()
    %broadcast_in_dim3A = arith.constant 0 : i32
    %broadcast_in_dim3A_52 = vector.broadcast %broadcast_in_dim3A : i32 to vector<16xi32>
    %swap3A = arith.constant 0 : i32
    %swap3A_53 = arith.index_cast %swap3A : i32 to index
    %swap3A_54 = arith.constant 0 : index
    %swap3A_55 = tpu.vector_load %arg9[%swap3A_53, %swap3A_54] {strides = array<i32>} : memref<2x256xi32, #tpu.memory_space<vmem>>, vector<16xi32>,
    tpu.vector_store %arg9[%swap3A_53, %swap3A_54], %broadcast_in_dim3A_52 {strides = array<i32>} : memref<2x256xi32, #tpu.memory_space<vmem>>, vector<16xi32>,
    %broadcast_in_dim3A_56 = arith.constant 10000 : i32
    %broadcast_in_dim3A_57 = vector.broadcast %broadcast_in_dim3A_56 : i32 to vector<16xi32>
    %swap3A_58 = arith.constant 1 : i32
    %swap3A_59 = arith.index_cast %swap3A_58 : i32 to index
    %swap3A_60 = arith.constant 0 : index
    %swap3A_61 = tpu.vector_load %arg9[%swap3A_59, %swap3A_60] {strides = array<i32>} : memref<2x256xi32, #tpu.memory_space<vmem>>, vector<16xi32>,
    tpu.vector_store %arg9[%swap3A_59, %swap3A_60], %broadcast_in_dim3A_57 {strides = array<i32>} : memref<2x256xi32, #tpu.memory_space<vmem>>, vector<16xi32>,
    %broadcast_in_dim3A_62 = arith.constant 0 : i32
    %broadcast_in_dim3A_63 = vector.broadcast %broadcast_in_dim3A_62 : i32 to vector<16xi32>
    %swap3A_64 = arith.constant 0 : i32
    %swap3A_65 = arith.index_cast %swap3A_64 : i32 to index
    %swap3A_66 = arith.constant 16 : index
    %swap3A_67 = tpu.vector_load %arg9[%swap3A_65, %swap3A_66] {strides = array<i32>} : memref<2x256xi32, #tpu.memory_space<vmem>>, vector<16xi32>,
    tpu.vector_store %arg9[%swap3A_65, %swap3A_66], %broadcast_in_dim3A_63 {strides = array<i32>} : memref<2x256xi32, #tpu.memory_space<vmem>>, vector<16xi32>,
    %broadcast_in_dim3A_68 = arith.constant 10000 : i32
    %broadcast_in_dim3A_69 = vector.broadcast %broadcast_in_dim3A_68 : i32 to vector<16xi32>
    %swap3A_70 = arith.constant 1 : i32
    %swap3A_71 = arith.index_cast %swap3A_70 : i32 to index
    %swap3A_72 = arith.constant 16 : index
    %swap3A_73 = tpu.vector_load %arg9[%swap3A_71, %swap3A_72] {strides = array<i32>} : memref<2x256xi32, #tpu.memory_space<vmem>>, vector<16xi32>,
    tpu.vector_store %arg9[%swap3A_71, %swap3A_72], %broadcast_in_dim3A_69 {strides = array<i32>} : memref<2x256xi32, #tpu.memory_space<vmem>>, vector<16xi32>,
    %broadcast_in_dim3A_74 = arith.constant 0 : i32
    %broadcast_in_dim3A_75 = vector.broadcast %broadcast_in_dim3A_74 : i32 to vector<16xi32>
    %swap3A_76 = arith.constant 0 : i32
    %swap3A_77 = arith.index_cast %swap3A_76 : i32 to index
    %swap3A_78 = arith.constant 32 : index
    %swap3A_79 = tpu.vector_load %arg9[%swap3A_77, %swap3A_78] {strides = array<i32>} : memref<2x256xi32, #tpu.memory_space<vmem>>, vector<16xi32>,
    tpu.vector_store %arg9[%swap3A_77, %swap3A_78], %broadcast_in_dim3A_75 {strides = array<i32>} : memref<2x256xi32, #tpu.memory_space<vmem>>, vector<16xi32>,
    %broadcast_in_dim3A_80 = arith.constant 10000 : i32
    %broadcast_in_dim3A_81 = vector.broadcast %broadcast_in_dim3A_80 : i32 to vector<16xi32>
    %swap3A_82 = arith.constant 1 : i32
    %swap3A_83 = arith.index_cast %swap3A_82 : i32 to index
    %swap3A_84 = arith.constant 32 : index
    %swap3A_85 = tpu.vector_load %arg9[%swap3A_83, %swap3A_84] {strides = array<i32>} : memref<2x256xi32, #tpu.memory_space<vmem>>, vector<16xi32>,
    tpu.vector_store %arg9[%swap3A_83, %swap3A_84], %broadcast_in_dim3A_81 {strides = array<i32>} : memref<2x256xi32, #tpu.memory_space<vmem>>, vector<16xi32>,
    %broadcast_in_dim3A_86 = arith.constant 0 : i32
    %broadcast_in_dim3A_87 = vector.broadcast %broadcast_in_dim3A_86 : i32 to vector<16xi32>
    %swap3A_88 = arith.constant 0 : i32
    %swap3A_89 = arith.index_cast %swap3A_88 : i32 to index
    %swap3A_90 = arith.constant 48 : index
    %swap3A_91 = tpu.vector_load %arg9[%swap3A_89, %swap3A_90] {strides = array<i32>} : memref<2x256xi32, #tpu.memory_space<vmem>>, vector<16xi32>,
    tpu.vector_store %arg9[%swap3A_89, %swap3A_90], %broadcast_in_dim3A_87 {strides = array<i32>} : memref<2x256xi32, #tpu.memory_space<vmem>>, vector<16xi32>,
    %broadcast_in_dim3A_92 = arith.constant 10000 : i32
    %broadcast_in_dim3A_93 = vector.broadcast %broadcast_in_dim3A_92 : i32 to vector<16xi32>
    %swap3A_94 = arith.constant 1 : i32
    %swap3A_95 = arith.index_cast %swap3A_94 : i32 to index
    %swap3A_96 = arith.constant 48 : index
    %swap3A_97 = tpu.vector_load %arg9[%swap3A_95, %swap3A_96] {strides = array<i32>} : memref<2x256xi32, #tpu.memory_space<vmem>>, vector<16xi32>,
    tpu.vector_store %arg9[%swap3A_95, %swap3A_96], %broadcast_in_dim3A_93 {strides = array<i32>} : memref<2x256xi32, #tpu.memory_space<vmem>>, vector<16xi32>,
    %broadcast_in_dim3A_98 = arith.constant 0 : i32
    %broadcast_in_dim3A_99 = vector.broadcast %broadcast_in_dim3A_98 : i32 to vector<16xi32>
    %swap3A_100 = arith.constant 0 : i32
    %swap3A_101 = arith.index_cast %swap3A_100 : i32 to index
    %swap3A_102 = arith.constant 64 : index
    %swap3A_103 = tpu.vector_load %arg9[%swap3A_101, %swap3A_102] {strides = array<i32>} : memref<2x256xi32, #tpu.memory_space<vmem>>, vector<16xi32>,
    tpu.vector_store %arg9[%swap3A_101, %swap3A_102], %broadcast_in_dim3A_99 {strides = array<i32>} : memref<2x256xi32, #tpu.memory_space<vmem>>, vector<16xi32>,
    %broadcast_in_dim3A_104 = arith.constant 10000 : i32
    %broadcast_in_dim3A_105 = vector.broadcast %broadcast_in_dim3A_104 : i32 to vector<16xi32>
    %swap3A_106 = arith.constant 1 : i32
    %swap3A_107 = arith.index_cast %swap3A_106 : i32 to index
    %swap3A_108 = arith.constant 64 : index
    %swap3A_109 = tpu.vector_load %arg9[%swap3A_107, %swap3A_108] {strides = array<i32>} : memref<2x256xi32, #tpu.memory_space<vmem>>, vector<16xi32>,
    tpu.vector_store %arg9[%swap3A_107, %swap3A_108], %broadcast_in_dim3A_105 {strides = array<i32>} : memref<2x256xi32, #tpu.memory_space<vmem>>, vector<16xi32>,
    %broadcast_in_dim3A_110 = arith.constant 0 : i32
    %broadcast_in_dim3A_111 = vector.broadcast %broadcast_in_dim3A_110 : i32 to vector<16xi32>
    %swap3A_112 = arith.constant 0 : i32
    %swap3A_113 = arith.index_cast %swap3A_112 : i32 to index
    %swap3A_114 = arith.constant 80 : index
    %swap3A_115 = tpu.vector_load %arg9[%swap3A_113, %swap3A_114] {strides = array<i32>} : memref<2x256xi32, #tpu.memory_space<vmem>>, vector<16xi32>,
    tpu.vector_store %arg9[%swap3A_113, %swap3A_114], %broadcast_in_dim3A_111 {strides = array<i32>} : memref<2x256xi32, #tpu.memory_space<vmem>>, vector<16xi32>,
    %broadcast_in_dim3A_116 = arith.constant 10000 : i32
    %broadcast_in_dim3A_117 = vector.broadcast %broadcast_in_dim3A_116 : i32 to vector<16xi32>
    %swap3A_118 = arith.constant 1 : i32
    %swap3A_119 = arith.index_cast %swap3A_118 : i32 to index
    %swap3A_120 = arith.constant 80 : index
    %swap3A_121 = tpu.vector_load %arg9[%swap3A_119, %swap3A_120] {strides = array<i32>} : memref<2x256xi32, #tpu.memory_space<vmem>>, vector<16xi32>,
    tpu.vector_store %arg9[%swap3A_119, %swap3A_120], %broadcast_in_dim3A_117 {strides = array<i32>} : memref<2x256xi32, #tpu.memory_space<vmem>>, vector<16xi32>,
    %broadcast_in_dim3A_122 = arith.constant 0 : i32
    %broadcast_in_dim3A_123 = vector.broadcast %broadcast_in_dim3A_122 : i32 to vector<16xi32>
    %swap3A_124 = arith.constant 0 : i32
    %swap3A_125 = arith.index_cast %swap3A_124 : i32 to index
    %swap3A_126 = arith.constant 96 : index
    %swap3A_127 = tpu.vector_load %arg9[%swap3A_125, %swap3A_126] {strides = array<i32>} : memref<2x256xi32, #tpu.memory_space<vmem>>, vector<16xi32>,
    tpu.vector_store %arg9[%swap3A_125, %swap3A_126], %broadcast_in_dim3A_123 {strides = array<i32>} : memref<2x256xi32, #tpu.memory_space<vmem>>, vector<16xi32>,
    %broadcast_in_dim3A_128 = arith.constant 10000 : i32
    %broadcast_in_dim3A_129 = vector.broadcast %broadcast_in_dim3A_128 : i32 to vector<16xi32>
    %swap3A_130 = arith.constant 1 : i32
    %swap3A_131 = arith.index_cast %swap3A_130 : i32 to index
    %swap3A_132 = arith.constant 96 : index
    %swap3A_133 = tpu.vector_load %arg9[%swap3A_131, %swap3A_132] {strides = array<i32>} : memref<2x256xi32, #tpu.memory_space<vmem>>, vector<16xi32>,
    tpu.vector_store %arg9[%swap3A_131, %swap3A_132], %broadcast_in_dim3A_129 {strides = array<i32>} : memref<2x256xi32, #tpu.memory_space<vmem>>, vector<16xi32>,
    %broadcast_in_dim3A_134 = arith.constant 0 : i32
    %broadcast_in_dim3A_135 = vector.broadcast %broadcast_in_dim3A_134 : i32 to vector<16xi32>
    %swap3A_136 = arith.constant 0 : i32
    %swap3A_137 = arith.index_cast %swap3A_136 : i32 to index
    %swap3A_138 = arith.constant 112 : index
    %swap3A_139 = tpu.vector_load %arg9[%swap3A_137, %swap3A_138] {strides = array<i32>} : memref<2x256xi32, #tpu.memory_space<vmem>>, vector<16xi32>,
    tpu.vector_store %arg9[%swap3A_137, %swap3A_138], %broadcast_in_dim3A_135 {strides = array<i32>} : memref<2x256xi32, #tpu.memory_space<vmem>>, vector<16xi32>,
    %broadcast_in_dim3A_140 = arith.constant 10000 : i32
    %broadcast_in_dim3A_141 = vector.broadcast %broadcast_in_dim3A_140 : i32 to vector<16xi32>
    %swap3A_142 = arith.constant 1 : i32
    %swap3A_143 = arith.index_cast %swap3A_142 : i32 to index
    %swap3A_144 = arith.constant 112 : index
    %swap3A_145 = tpu.vector_load %arg9[%swap3A_143, %swap3A_144] {strides = array<i32>} : memref<2x256xi32, #tpu.memory_space<vmem>>, vector<16xi32>,
    tpu.vector_store %arg9[%swap3A_143, %swap3A_144], %broadcast_in_dim3A_141 {strides = array<i32>} : memref<2x256xi32, #tpu.memory_space<vmem>>, vector<16xi32>,
    %broadcast_in_dim3A_146 = arith.constant 0 : i32
    %broadcast_in_dim3A_147 = vector.broadcast %broadcast_in_dim3A_146 : i32 to vector<16xi32>
    %swap3A_148 = arith.constant 0 : i32
    %swap3A_149 = arith.index_cast %swap3A_148 : i32 to index
    %swap3A_150 = arith.constant 128 : index
    %swap3A_151 = tpu.vector_load %arg9[%swap3A_149, %swap3A_150] {strides = array<i32>} : memref<2x256xi32, #tpu.memory_space<vmem>>, vector<16xi32>,
    tpu.vector_store %arg9[%swap3A_149, %swap3A_150], %broadcast_in_dim3A_147 {strides = array<i32>} : memref<2x256xi32, #tpu.memory_space<vmem>>, vector<16xi32>,
    %broadcast_in_dim3A_152 = arith.constant 10000 : i32
    %broadcast_in_dim3A_153 = vector.broadcast %broadcast_in_dim3A_152 : i32 to vector<16xi32>
    %swap3A_154 = arith.constant 1 : i32
    %swap3A_155 = arith.index_cast %swap3A_154 : i32 to index
    %swap3A_156 = arith.constant 128 : index
    %swap3A_157 = tpu.vector_load %arg9[%swap3A_155, %swap3A_156] {strides = array<i32>} : memref<2x256xi32, #tpu.memory_space<vmem>>, vector<16xi32>,
    tpu.vector_store %arg9[%swap3A_155, %swap3A_156], %broadcast_in_dim3A_153 {strides = array<i32>} : memref<2x256xi32, #tpu.memory_space<vmem>>, vector<16xi32>,
    %broadcast_in_dim3A_158 = arith.constant 0 : i32
    %broadcast_in_dim3A_159 = vector.broadcast %broadcast_in_dim3A_158 : i32 to vector<16xi32>
    %swap3A_160 = arith.constant 0 : i32
    %swap3A_161 = arith.index_cast %swap3A_160 : i32 to index
    %swap3A_162 = arith.constant 144 : index
    %swap3A_163 = tpu.vector_load %arg9[%swap3A_161, %swap3A_162] {strides = array<i32>} : memref<2x256xi32, #tpu.memory_space<vmem>>, vector<16xi32>,
    tpu.vector_store %arg9[%swap3A_161, %swap3A_162], %broadcast_in_dim3A_159 {strides = array<i32>} : memref<2x256xi32, #tpu.memory_space<vmem>>, vector<16xi32>,
    %broadcast_in_dim3A_164 = arith.constant 10000 : i32
    %broadcast_in_dim3A_165 = vector.broadcast %broadcast_in_dim3A_164 : i32 to vector<16xi32>
    %swap3A_166 = arith.constant 1 : i32
    %swap3A_167 = arith.index_cast %swap3A_166 : i32 to index
    %swap3A_168 = arith.constant 144 : index
    %swap3A_169 = tpu.vector_load %arg9[%swap3A_167, %swap3A_168] {strides = array<i32>} : memref<2x256xi32, #tpu.memory_space<vmem>>, vector<16xi32>,
    tpu.vector_store %arg9[%swap3A_167, %swap3A_168], %broadcast_in_dim3A_165 {strides = array<i32>} : memref<2x256xi32, #tpu.memory_space<vmem>>, vector<16xi32>,
    %broadcast_in_dim3A_170 = arith.constant 0 : i32
    %broadcast_in_dim3A_171 = vector.broadcast %broadcast_in_dim3A_170 : i32 to vector<16xi32>
    %swap3A_172 = arith.constant 0 : i32
    %swap3A_173 = arith.index_cast %swap3A_172 : i32 to index
    %swap3A_174 = arith.constant 160 : index
    %swap3A_175 = tpu.vector_load %arg9[%swap3A_173, %swap3A_174] {strides = array<i32>} : memref<2x256xi32, #tpu.memory_space<vmem>>, vector<16xi32>,
    tpu.vector_store %arg9[%swap3A_173, %swap3A_174], %broadcast_in_dim3A_171 {strides = array<i32>} : memref<2x256xi32, #tpu.memory_space<vmem>>, vector<16xi32>,
    %broadcast_in_dim3A_176 = arith.constant 10000 : i32
    %broadcast_in_dim3A_177 = vector.broadcast %broadcast_in_dim3A_176 : i32 to vector<16xi32>
    %swap3A_178 = arith.constant 1 : i32
    %swap3A_179 = arith.index_cast %swap3A_178 : i32 to index
    %swap3A_180 = arith.constant 160 : index
    %swap3A_181 = tpu.vector_load %arg9[%swap3A_179, %swap3A_180] {strides = array<i32>} : memref<2x256xi32, #tpu.memory_space<vmem>>, vector<16xi32>,
    tpu.vector_store %arg9[%swap3A_179, %swap3A_180], %broadcast_in_dim3A_177 {strides = array<i32>} : memref<2x256xi32, #tpu.memory_space<vmem>>, vector<16xi32>,
    %broadcast_in_dim3A_182 = arith.constant 0 : i32
    %broadcast_in_dim3A_183 = vector.broadcast %broadcast_in_dim3A_182 : i32 to vector<16xi32>
    %swap3A_184 = arith.constant 0 : i32
    %swap3A_185 = arith.index_cast %swap3A_184 : i32 to index
    %swap3A_186 = arith.constant 176 : index
    %swap3A_187 = tpu.vector_load %arg9[%swap3A_185, %swap3A_186] {strides = array<i32>} : memref<2x256xi32, #tpu.memory_space<vmem>>, vector<16xi32>,
    tpu.vector_store %arg9[%swap3A_185, %swap3A_186], %broadcast_in_dim3A_183 {strides = array<i32>} : memref<2x256xi32, #tpu.memory_space<vmem>>, vector<16xi32>,
    %broadcast_in_dim3A_188 = arith.constant 10000 : i32
    %broadcast_in_dim3A_189 = vector.broadcast %broadcast_in_dim3A_188 : i32 to vector<16xi32>
    %swap3A_190 = arith.constant 1 : i32
    %swap3A_191 = arith.index_cast %swap3A_190 : i32 to index
    %swap3A_192 = arith.constant 176 : index
    %swap3A_193 = tpu.vector_load %arg9[%swap3A_191, %swap3A_192] {strides = array<i32>} : memref<2x256xi32, #tpu.memory_space<vmem>>, vector<16xi32>,
    tpu.vector_store %arg9[%swap3A_191, %swap3A_192], %broadcast_in_dim3A_189 {strides = array<i32>} : memref<2x256xi32, #tpu.memory_space<vmem>>, vector<16xi32>,
    %broadcast_in_dim3A_194 = arith.constant 0 : i32
    %broadcast_in_dim3A_195 = vector.broadcast %broadcast_in_dim3A_194 : i32 to vector<16xi32>
    %swap3A_196 = arith.constant 0 : i32
    %swap3A_197 = arith.index_cast %swap3A_196 : i32 to index
    %swap3A_198 = arith.constant 192 : index
    %swap3A_199 = tpu.vector_load %arg9[%swap3A_197, %swap3A_198] {strides = array<i32>} : memref<2x256xi32, #tpu.memory_space<vmem>>, vector<16xi32>,
    tpu.vector_store %arg9[%swap3A_197, %swap3A_198], %broadcast_in_dim3A_195 {strides = array<i32>} : memref<2x256xi32, #tpu.memory_space<vmem>>, vector<16xi32>,
    %broadcast_in_dim3A_200 = arith.constant 10000 : i32
    %broadcast_in_dim3A_201 = vector.broadcast %broadcast_in_dim3A_200 : i32 to vector<16xi32>
    %swap3A_202 = arith.constant 1 : i32
    %swap3A_203 = arith.index_cast %swap3A_202 : i32 to index
    %swap3A_204 = arith.constant 192 : index
    %swap3A_205 = tpu.vector_load %arg9[%swap3A_203, %swap3A_204] {strides = array<i32>} : memref<2x256xi32, #tpu.memory_space<vmem>>, vector<16xi32>,
    tpu.vector_store %arg9[%swap3A_203, %swap3A_204], %broadcast_in_dim3A_201 {strides = array<i32>} : memref<2x256xi32, #tpu.memory_space<vmem>>, vector<16xi32>,
    %broadcast_in_dim3A_206 = arith.constant 0 : i32
    %broadcast_in_dim3A_207 = vector.broadcast %broadcast_in_dim3A_206 : i32 to vector<16xi32>
    %swap3A_208 = arith.constant 0 : i32
    %swap3A_209 = arith.index_cast %swap3A_208 : i32 to index
    %swap3A_210 = arith.constant 208 : index
    %swap3A_211 = tpu.vector_load %arg9[%swap3A_209, %swap3A_210] {strides = array<i32>} : memref<2x256xi32, #tpu.memory_space<vmem>>, vector<16xi32>,
    tpu.vector_store %arg9[%swap3A_209, %swap3A_210], %broadcast_in_dim3A_207 {strides = array<i32>} : memref<2x256xi32, #tpu.memory_space<vmem>>, vector<16xi32>,
    %broadcast_in_dim3A_212 = arith.constant 10000 : i32
    %broadcast_in_dim3A_213 = vector.broadcast %broadcast_in_dim3A_212 : i32 to vector<16xi32>
    %swap3A_214 = arith.constant 1 : i32
    %swap3A_215 = arith.index_cast %swap3A_214 : i32 to index
    %swap3A_216 = arith.constant 208 : index
    %swap3A_217 = tpu.vector_load %arg9[%swap3A_215, %swap3A_216] {strides = array<i32>} : memref<2x256xi32, #tpu.memory_space<vmem>>, vector<16xi32>,
    tpu.vector_store %arg9[%swap3A_215, %swap3A_216], %broadcast_in_dim3A_213 {strides = array<i32>} : memref<2x256xi32, #tpu.memory_space<vmem>>, vector<16xi32>,
    %broadcast_in_dim3A_218 = arith.constant 0 : i32
    %broadcast_in_dim3A_219 = vector.broadcast %broadcast_in_dim3A_218 : i32 to vector<16xi32>
    %swap3A_220 = arith.constant 0 : i32
    %swap3A_221 = arith.index_cast %swap3A_220 : i32 to index
    %swap3A_222 = arith.constant 224 : index
    %swap3A_223 = tpu.vector_load %arg9[%swap3A_221, %swap3A_222] {strides = array<i32>} : memref<2x256xi32, #tpu.memory_space<vmem>>, vector<16xi32>,
    tpu.vector_store %arg9[%swap3A_221, %swap3A_222], %broadcast_in_dim3A_219 {strides = array<i32>} : memref<2x256xi32, #tpu.memory_space<vmem>>, vector<16xi32>,
    %broadcast_in_dim3A_224 = arith.constant 10000 : i32
    %broadcast_in_dim3A_225 = vector.broadcast %broadcast_in_dim3A_224 : i32 to vector<16xi32>
    %swap3A_226 = arith.constant 1 : i32
    %swap3A_227 = arith.index_cast %swap3A_226 : i32 to index
    %swap3A_228 = arith.constant 224 : index
    %swap3A_229 = tpu.vector_load %arg9[%swap3A_227, %swap3A_228] {strides = array<i32>} : memref<2x256xi32, #tpu.memory_space<vmem>>, vector<16xi32>,
    tpu.vector_store %arg9[%swap3A_227, %swap3A_228], %broadcast_in_dim3A_225 {strides = array<i32>} : memref<2x256xi32, #tpu.memory_space<vmem>>, vector<16xi32>,
    %broadcast_in_dim3A_230 = arith.constant 0 : i32
    %broadcast_in_dim3A_231 = vector.broadcast %broadcast_in_dim3A_230 : i32 to vector<16xi32>
    %swap3A_232 = arith.constant 0 : i32
    %swap3A_233 = arith.index_cast %swap3A_232 : i32 to index
    %swap3A_234 = arith.constant 240 : index
    %swap3A_235 = tpu.vector_load %arg9[%swap3A_233, %swap3A_234] {strides = array<i32>} : memref<2x256xi32, #tpu.memory_space<vmem>>, vector<16xi32>,
    tpu.vector_store %arg9[%swap3A_233, %swap3A_234], %broadcast_in_dim3A_231 {strides = array<i32>} : memref<2x256xi32, #tpu.memory_space<vmem>>, vector<16xi32>,
    %broadcast_in_dim3A_236 = arith.constant 10000 : i32
    %broadcast_in_dim3A_237 = vector.broadcast %broadcast_in_dim3A_236 : i32 to vector<16xi32>
    %swap3A_238 = arith.constant 1 : i32
    %swap3A_239 = arith.index_cast %swap3A_238 : i32 to index
    %swap3A_240 = arith.constant 240 : index
    %swap3A_241 = tpu.vector_load %arg9[%swap3A_239, %swap3A_240] {strides = array<i32>} : memref<2x256xi32, #tpu.memory_space<vmem>>, vector<16xi32>,
    tpu.vector_store %arg9[%swap3A_239, %swap3A_240], %broadcast_in_dim3A_237 {strides = array<i32>} : memref<2x256xi32, #tpu.memory_space<vmem>>, vector<16xi32>,
    %mul3A_242 = arith.constant 256 : i32
    %mul3A_243 = arith.muli %add3A, %mul3A_242 : i32
    %add3A_244 = arith.constant 320000 : i32
    %add3A_245 = arith.addi %add3A_244, %mul3A_243 : i32
    %run_scoped3A = arith.constant 0 : i32
    "tpu.region"() ({
      %run_scoped3A_271 = tpu.sem_alloc : memref<!tpu.dma_semaphore, #tpu.memory_space<semaphore_mem>>
      %dma_start3A_272 = arith.constant 0 : i32
      %dma_start3A_273 = tpu.memref_slice %arg9[%run_scoped3A, %dma_start3A_272] : memref<2x256xi32, #tpu.memory_space<vmem>> -> memref<1x256xi32, #tpu.memory_space<vmem>>
      %dma_start3A_274 = tpu.memref_squeeze %dma_start3A_273 : memref<1x256xi32, #tpu.memory_space<vmem>> -> memref<256xi32, #tpu.memory_space<vmem>>
      %dma_start3A_275 = arith.constant 0 : i32
      %dma_start3A_276 = tpu.memref_slice %dma_start3A_274[%dma_start3A_275] : memref<256xi32, #tpu.memory_space<vmem>> -> memref<256xi32, #tpu.memory_space<vmem>>
      %dma_start3A_277 = tpu.memref_slice %arg4[%add3A_245] : memref<328704xi32, #tpu.memory_space<hbm>> -> memref<256xi32, #tpu.memory_space<hbm>>
      %dma_start3A_278 = tpu.memref_slice %arg4[%add3A_245] : memref<328704xi32, #tpu.memory_space<hbm>> -> memref<256xi32, #tpu.memory_space<hbm>>
      %dma_start3A_279 = arith.constant 0 : i32
      %dma_start3A_280 = tpu.memref_slice %arg9[%run_scoped3A, %dma_start3A_279] : memref<2x256xi32, #tpu.memory_space<vmem>> -> memref<1x256xi32, #tpu.memory_space<vmem>>
      %dma_start3A_281 = tpu.memref_squeeze %dma_start3A_280 : memref<1x256xi32, #tpu.memory_space<vmem>> -> memref<256xi32, #tpu.memory_space<vmem>>
      %dma_start3A_282 = arith.constant 0 : i32
      %dma_start3A_283 = tpu.memref_slice %dma_start3A_281[%dma_start3A_282] : memref<256xi32, #tpu.memory_space<vmem>> -> memref<256xi32, #tpu.memory_space<vmem>>
      tpu.enqueue_dma source(%dma_start3A_283 : memref<256xi32, #tpu.memory_space<vmem>>) target(%dma_start3A_278 : memref<256xi32, #tpu.memory_space<hbm>>) target_semaphore(%run_scoped3A_271 : memref<!tpu.dma_semaphore, #tpu.memory_space<semaphore_mem>>)
      %dma_wait3A_284 = arith.constant 0 : i32
      %dma_wait3A_285 = tpu.memref_slice %arg9[%run_scoped3A, %dma_wait3A_284] : memref<2x256xi32, #tpu.memory_space<vmem>> -> memref<1x256xi32, #tpu.memory_space<vmem>>
      %dma_wait3A_286 = tpu.memref_squeeze %dma_wait3A_285 : memref<1x256xi32, #tpu.memory_space<vmem>> -> memref<256xi32, #tpu.memory_space<vmem>>
      %dma_wait3A_287 = arith.constant 0 : i32
      %dma_wait3A_288 = tpu.memref_slice %dma_wait3A_286[%dma_wait3A_287] : memref<256xi32, #tpu.memory_space<vmem>> -> memref<256xi32, #tpu.memory_space<vmem>>
      %dma_wait3A_289 = tpu.memref_slice %arg4[%add3A_245] : memref<328704xi32, #tpu.memory_space<hbm>> -> memref<256xi32, #tpu.memory_space<hbm>>
      %dma_wait3A_290 = tpu.memref_slice %arg4[%add3A_245] : memref<328704xi32, #tpu.memory_space<hbm>> -> memref<256xi32, #tpu.memory_space<hbm>>
      %dma_wait3A_291 = arith.constant 0 : i32
      %dma_wait3A_292 = tpu.memref_slice %arg9[%run_scoped3A, %dma_wait3A_291] : memref<2x256xi32, #tpu.memory_space<vmem>> -> memref<1x256xi32, #tpu.memory_space<vmem>>
      %dma_wait3A_293 = tpu.memref_squeeze %dma_wait3A_292 : memref<1x256xi32, #tpu.memory_space<vmem>> -> memref<256xi32, #tpu.memory_space<vmem>>
      %dma_wait3A_294 = arith.constant 0 : i32
      %dma_wait3A_295 = tpu.memref_slice %dma_wait3A_293[%dma_wait3A_294] : memref<256xi32, #tpu.memory_space<vmem>> -> memref<256xi32, #tpu.memory_space<vmem>>
      tpu.wait_dma2 semaphore(%run_scoped3A_271 : memref<!tpu.dma_semaphore, #tpu.memory_space<semaphore_mem>>) src(%dma_wait3A_295 : memref<256xi32, #tpu.memory_space<vmem>>) dst(%dma_wait3A_290 : memref<256xi32, #tpu.memory_space<hbm>>)
      tpu.yield
    }) : () -> ()
    %mul3A_246 = arith.constant 256 : i32
    %mul3A_247 = arith.muli %add3A, %mul3A_246 : i32
    %add3A_248 = arith.constant 320000 : i32
    %add3A_249 = arith.addi %add3A_248, %mul3A_247 : i32
    %run_scoped3A_250 = arith.constant 1 : i32
    "tpu.region"() ({
      %run_scoped3A_271 = tpu.sem_alloc : memref<!tpu.dma_semaphore, #tpu.memory_space<semaphore_mem>>
      %dma_start3A_272 = arith.constant 0 : i32
      %dma_start3A_273 = tpu.memref_slice %arg9[%run_scoped3A_250, %dma_start3A_272] : memref<2x256xi32, #tpu.memory_space<vmem>> -> memref<1x256xi32, #tpu.memory_space<vmem>>
      %dma_start3A_274 = tpu.memref_squeeze %dma_start3A_273 : memref<1x256xi32, #tpu.memory_space<vmem>> -> memref<256xi32, #tpu.memory_space<vmem>>
      %dma_start3A_275 = arith.constant 0 : i32
      %dma_start3A_276 = tpu.memref_slice %dma_start3A_274[%dma_start3A_275] : memref<256xi32, #tpu.memory_space<vmem>> -> memref<256xi32, #tpu.memory_space<vmem>>
      %dma_start3A_277 = tpu.memref_slice %arg5[%add3A_249] : memref<328704xi32, #tpu.memory_space<hbm>> -> memref<256xi32, #tpu.memory_space<hbm>>
      %dma_start3A_278 = tpu.memref_slice %arg5[%add3A_249] : memref<328704xi32, #tpu.memory_space<hbm>> -> memref<256xi32, #tpu.memory_space<hbm>>
      %dma_start3A_279 = arith.constant 0 : i32
      %dma_start3A_280 = tpu.memref_slice %arg9[%run_scoped3A_250, %dma_start3A_279] : memref<2x256xi32, #tpu.memory_space<vmem>> -> memref<1x256xi32, #tpu.memory_space<vmem>>
      %dma_start3A_281 = tpu.memref_squeeze %dma_start3A_280 : memref<1x256xi32, #tpu.memory_space<vmem>> -> memref<256xi32, #tpu.memory_space<vmem>>
      %dma_start3A_282 = arith.constant 0 : i32
      %dma_start3A_283 = tpu.memref_slice %dma_start3A_281[%dma_start3A_282] : memref<256xi32, #tpu.memory_space<vmem>> -> memref<256xi32, #tpu.memory_space<vmem>>
      tpu.enqueue_dma source(%dma_start3A_283 : memref<256xi32, #tpu.memory_space<vmem>>) target(%dma_start3A_278 : memref<256xi32, #tpu.memory_space<hbm>>) target_semaphore(%run_scoped3A_271 : memref<!tpu.dma_semaphore, #tpu.memory_space<semaphore_mem>>)
      %dma_wait3A_284 = arith.constant 0 : i32
      %dma_wait3A_285 = tpu.memref_slice %arg9[%run_scoped3A_250, %dma_wait3A_284] : memref<2x256xi32, #tpu.memory_space<vmem>> -> memref<1x256xi32, #tpu.memory_space<vmem>>
      %dma_wait3A_286 = tpu.memref_squeeze %dma_wait3A_285 : memref<1x256xi32, #tpu.memory_space<vmem>> -> memref<256xi32, #tpu.memory_space<vmem>>
      %dma_wait3A_287 = arith.constant 0 : i32
      %dma_wait3A_288 = tpu.memref_slice %dma_wait3A_286[%dma_wait3A_287] : memref<256xi32, #tpu.memory_space<vmem>> -> memref<256xi32, #tpu.memory_space<vmem>>
      %dma_wait3A_289 = tpu.memref_slice %arg5[%add3A_249] : memref<328704xi32, #tpu.memory_space<hbm>> -> memref<256xi32, #tpu.memory_space<hbm>>
      %dma_wait3A_290 = tpu.memref_slice %arg5[%add3A_249] : memref<328704xi32, #tpu.memory_space<hbm>> -> memref<256xi32, #tpu.memory_space<hbm>>
      %dma_wait3A_291 = arith.constant 0 : i32
      %dma_wait3A_292 = tpu.memref_slice %arg9[%run_scoped3A_250, %dma_wait3A_291] : memref<2x256xi32, #tpu.memory_space<vmem>> -> memref<1x256xi32, #tpu.memory_space<vmem>>
      %dma_wait3A_293 = tpu.memref_squeeze %dma_wait3A_292 : memref<1x256xi32, #tpu.memory_space<vmem>> -> memref<256xi32, #tpu.memory_space<vmem>>
      %dma_wait3A_294 = arith.constant 0 : i32
      %dma_wait3A_295 = tpu.memref_slice %dma_wait3A_293[%dma_wait3A_294] : memref<256xi32, #tpu.memory_space<vmem>> -> memref<256xi32, #tpu.memory_space<vmem>>
      tpu.wait_dma2 semaphore(%run_scoped3A_271 : memref<!tpu.dma_semaphore, #tpu.memory_space<semaphore_mem>>) src(%dma_wait3A_295 : memref<256xi32, #tpu.memory_space<vmem>>) dst(%dma_wait3A_290 : memref<256xi32, #tpu.memory_space<hbm>>)
      tpu.yield
    }) : () -> ()
    %broadcast_in_dim3A_251 = arith.constant 1.000000e+00 : f32
    %broadcast_in_dim3A_252 = vector.broadcast %broadcast_in_dim3A_251 : f32 to vector<16xf32>
    %scan3A_253 = arith.constant 0 : i32
    %scan3A_254 = arith.constant 0 : i32
    %scan3A_255 = arith.constant 624 : i32
    %scan3A_256 = arith.addi %scan3A_254, %scan3A_255 : i32
    %scan3A_257 = arith.constant 1 : i32
    scf.for %scan3A_271 = %scan3A_254 to %scan3A_256 step %scan3A_257  : i32 {
      %mul3A_272 = arith.constant 16 : i32
      %mul3A_273 = arith.muli %mul3A_272, %scan3A_271 : i32
      %get3A = arith.index_cast %mul3A_273 : i32 to index
      %get3A_274 = tpu.vector_load %arg6[%get3A] {strides = array<i32>} : memref<9984xi32, #tpu.memory_space<vmem>>, vector<16xi32>,
      tpu.vector_store_idx %arg10[%get3A_274], %broadcast_in_dim3A_252 {add = true} : memref<10240xf32, #tpu.memory_space<vmem>>[vector<16xi32>], vector<16xf32>,
    }
    %scan3A_258 = arith.constant 624 : i32
    %lt3A = arith.constant 4 : i32
    %lt3A_259 = arith.cmpi slt, %add3A, %lt3A : i32
    %convert_element_type3A = arith.extui %lt3A_259 : i1 to i32
    %cond3A = arith.constant 0 : i32
    %cond3A_260 = arith.cmpi ne, %convert_element_type3A, %cond3A : i32
    scf.if %cond3A_260 {
      %mul3A_271 = arith.constant 128 : i32
      %mul3A_272 = arith.muli %add3A, %mul3A_271 : i32
      %add3A_273 = arith.constant 319488 : i32
      %add3A_274 = arith.addi %add3A_273, %mul3A_272 : i32
      %run_scoped3A_275 = arith.constant 1 : i32
      "tpu.region"() ({
        %run_scoped3A_305 = tpu.sem_alloc : memref<!tpu.dma_semaphore, #tpu.memory_space<semaphore_mem>>
        %dma_start3A_306 = arith.constant 0 : i32
        %dma_start3A_307 = tpu.memref_slice %arg2[%run_scoped3A_275, %dma_start3A_306] : memref<2x320000xi32, #tpu.memory_space<hbm>> -> memref<1x320000xi32, #tpu.memory_space<hbm>>
        %dma_start3A_308 = tpu.memref_squeeze %dma_start3A_307 : memref<1x320000xi32, #tpu.memory_space<hbm>> -> memref<320000xi32, #tpu.memory_space<hbm>>
        %dma_start3A_309 = tpu.memref_slice %dma_start3A_308[%add3A_274] : memref<320000xi32, #tpu.memory_space<hbm>> -> memref<128xi32, #tpu.memory_space<hbm>>
        %dma_start3A_310 = arith.constant 0 : i32
        %dma_start3A_311 = tpu.memref_slice %arg2[%run_scoped3A_275, %dma_start3A_310] : memref<2x320000xi32, #tpu.memory_space<hbm>> -> memref<1x320000xi32, #tpu.memory_space<hbm>>
        %dma_start3A_312 = tpu.memref_squeeze %dma_start3A_311 : memref<1x320000xi32, #tpu.memory_space<hbm>> -> memref<320000xi32, #tpu.memory_space<hbm>>
        %dma_start3A_313 = tpu.memref_slice %dma_start3A_312[%add3A_274] : memref<320000xi32, #tpu.memory_space<hbm>> -> memref<128xi32, #tpu.memory_space<hbm>>
        tpu.enqueue_dma source(%dma_start3A_313 : memref<128xi32, #tpu.memory_space<hbm>>) target(%arg8 : memref<128xi32, #tpu.memory_space<vmem>>) target_semaphore(%run_scoped3A_305 : memref<!tpu.dma_semaphore, #tpu.memory_space<semaphore_mem>>)
        %dma_wait3A_314 = arith.constant 0 : i32
        %dma_wait3A_315 = tpu.memref_slice %arg2[%run_scoped3A_275, %dma_wait3A_314] : memref<2x320000xi32, #tpu.memory_space<hbm>> -> memref<1x320000xi32, #tpu.memory_space<hbm>>
        %dma_wait3A_316 = tpu.memref_squeeze %dma_wait3A_315 : memref<1x320000xi32, #tpu.memory_space<hbm>> -> memref<320000xi32, #tpu.memory_space<hbm>>
        %dma_wait3A_317 = tpu.memref_slice %dma_wait3A_316[%add3A_274] : memref<320000xi32, #tpu.memory_space<hbm>> -> memref<128xi32, #tpu.memory_space<hbm>>
        %dma_wait3A_318 = arith.constant 0 : i32
        %dma_wait3A_319 = tpu.memref_slice %arg2[%run_scoped3A_275, %dma_wait3A_318] : memref<2x320000xi32, #tpu.memory_space<hbm>> -> memref<1x320000xi32, #tpu.memory_space<hbm>>
        %dma_wait3A_320 = tpu.memref_squeeze %dma_wait3A_319 : memref<1x320000xi32, #tpu.memory_space<hbm>> -> memref<320000xi32, #tpu.memory_space<hbm>>
        %dma_wait3A_321 = tpu.memref_slice %dma_wait3A_320[%add3A_274] : memref<320000xi32, #tpu.memory_space<hbm>> -> memref<128xi32, #tpu.memory_space<hbm>>
        tpu.wait_dma2 semaphore(%run_scoped3A_305 : memref<!tpu.dma_semaphore, #tpu.memory_space<semaphore_mem>>) src(%dma_wait3A_321 : memref<128xi32, #tpu.memory_space<hbm>>) dst(%arg8 : memref<128xi32, #tpu.memory_space<vmem>>)
        tpu.yield
      }) : () -> ()
      %mul3A_276 = arith.constant 128 : i32
      %mul3A_277 = arith.muli %add3A, %mul3A_276 : i32
      %add3A_278 = arith.constant 319488 : i32
      %add3A_279 = arith.addi %add3A_278, %mul3A_277 : i32
      "tpu.region"() ({
        %run_scoped3A_305 = tpu.sem_alloc : memref<!tpu.dma_semaphore, #tpu.memory_space<semaphore_mem>>
        %dma_start3A_306 = tpu.memref_slice %arg5[%add3A_279] : memref<328704xi32, #tpu.memory_space<hbm>> -> memref<128xi32, #tpu.memory_space<hbm>>
        %dma_start3A_307 = tpu.memref_slice %arg5[%add3A_279] : memref<328704xi32, #tpu.memory_space<hbm>> -> memref<128xi32, #tpu.memory_space<hbm>>
        tpu.enqueue_dma source(%arg8 : memref<128xi32, #tpu.memory_space<vmem>>) target(%dma_start3A_307 : memref<128xi32, #tpu.memory_space<hbm>>) target_semaphore(%run_scoped3A_305 : memref<!tpu.dma_semaphore, #tpu.memory_space<semaphore_mem>>)
        %dma_wait3A_308 = tpu.memref_slice %arg5[%add3A_279] : memref<328704xi32, #tpu.memory_space<hbm>> -> memref<128xi32, #tpu.memory_space<hbm>>
        %dma_wait3A_309 = tpu.memref_slice %arg5[%add3A_279] : memref<328704xi32, #tpu.memory_space<hbm>> -> memref<128xi32, #tpu.memory_space<hbm>>
        tpu.wait_dma2 semaphore(%run_scoped3A_305 : memref<!tpu.dma_semaphore, #tpu.memory_space<semaphore_mem>>) src(%arg8 : memref<128xi32, #tpu.memory_space<vmem>>) dst(%dma_wait3A_309 : memref<128xi32, #tpu.memory_space<hbm>>)
        tpu.yield
      }) : () -> ()
      %scan3A_280 = arith.constant 0 : i32
      %scan3A_281 = arith.constant 0 : i32
      %scan3A_282 = arith.constant 8 : i32
      %scan3A_283 = arith.addi %scan3A_281, %scan3A_282 : i32
      %scan3A_284 = arith.constant 1 : i32
      scf.for %scan3A_305 = %scan3A_281 to %scan3A_283 step %scan3A_284  : i32 {
        %mul3A_306 = arith.constant 16 : i32
        %mul3A_307 = arith.muli %mul3A_306, %scan3A_305 : i32
        %get3A = arith.index_cast %mul3A_307 : i32 to index
        %get3A_308 = tpu.vector_load %arg8[%get3A] {strides = array<i32>} : memref<128xi32, #tpu.memory_space<vmem>>, vector<16xi32>,
        tpu.vector_store_idx %arg10[%get3A_308], %broadcast_in_dim3A_252 {add = true} : memref<10240xf32, #tpu.memory_space<vmem>>[vector<16xi32>], vector<16xf32>,
      }
      %scan3A_285 = arith.constant 8 : i32
      %mul3A_286 = arith.constant 128 : i32
      %mul3A_287 = arith.muli %add3A, %mul3A_286 : i32
      %add3A_288 = arith.constant 319488 : i32
      %add3A_289 = arith.addi %add3A_288, %mul3A_287 : i32
      %run_scoped3A_290 = arith.constant 0 : i32
      "tpu.region"() ({
        %run_scoped3A_305 = tpu.sem_alloc : memref<!tpu.dma_semaphore, #tpu.memory_space<semaphore_mem>>
        %dma_start3A_306 = arith.constant 0 : i32
        %dma_start3A_307 = tpu.memref_slice %arg2[%run_scoped3A_290, %dma_start3A_306] : memref<2x320000xi32, #tpu.memory_space<hbm>> -> memref<1x320000xi32, #tpu.memory_space<hbm>>
        %dma_start3A_308 = tpu.memref_squeeze %dma_start3A_307 : memref<1x320000xi32, #tpu.memory_space<hbm>> -> memref<320000xi32, #tpu.memory_space<hbm>>
        %dma_start3A_309 = tpu.memref_slice %dma_start3A_308[%add3A_289] : memref<320000xi32, #tpu.memory_space<hbm>> -> memref<128xi32, #tpu.memory_space<hbm>>
        %dma_start3A_310 = arith.constant 0 : i32
        %dma_start3A_311 = tpu.memref_slice %arg2[%run_scoped3A_290, %dma_start3A_310] : memref<2x320000xi32, #tpu.memory_space<hbm>> -> memref<1x320000xi32, #tpu.memory_space<hbm>>
        %dma_start3A_312 = tpu.memref_squeeze %dma_start3A_311 : memref<1x320000xi32, #tpu.memory_space<hbm>> -> memref<320000xi32, #tpu.memory_space<hbm>>
        %dma_start3A_313 = tpu.memref_slice %dma_start3A_312[%add3A_289] : memref<320000xi32, #tpu.memory_space<hbm>> -> memref<128xi32, #tpu.memory_space<hbm>>
        tpu.enqueue_dma source(%dma_start3A_313 : memref<128xi32, #tpu.memory_space<hbm>>) target(%arg8 : memref<128xi32, #tpu.memory_space<vmem>>) target_semaphore(%run_scoped3A_305 : memref<!tpu.dma_semaphore, #tpu.memory_space<semaphore_mem>>)
        %dma_wait3A_314 = arith.constant 0 : i32
        %dma_wait3A_315 = tpu.memref_slice %arg2[%run_scoped3A_290, %dma_wait3A_314] : memref<2x320000xi32, #tpu.memory_space<hbm>> -> memref<1x320000xi32, #tpu.memory_space<hbm>>
        %dma_wait3A_316 = tpu.memref_squeeze %dma_wait3A_315 : memref<1x320000xi32, #tpu.memory_space<hbm>> -> memref<320000xi32, #tpu.memory_space<hbm>>
        %dma_wait3A_317 = tpu.memref_slice %dma_wait3A_316[%add3A_289] : memref<320000xi32, #tpu.memory_space<hbm>> -> memref<128xi32, #tpu.memory_space<hbm>>
        %dma_wait3A_318 = arith.constant 0 : i32
        %dma_wait3A_319 = tpu.memref_slice %arg2[%run_scoped3A_290, %dma_wait3A_318] : memref<2x320000xi32, #tpu.memory_space<hbm>> -> memref<1x320000xi32, #tpu.memory_space<hbm>>
        %dma_wait3A_320 = tpu.memref_squeeze %dma_wait3A_319 : memref<1x320000xi32, #tpu.memory_space<hbm>> -> memref<320000xi32, #tpu.memory_space<hbm>>
        %dma_wait3A_321 = tpu.memref_slice %dma_wait3A_320[%add3A_289] : memref<320000xi32, #tpu.memory_space<hbm>> -> memref<128xi32, #tpu.memory_space<hbm>>
        tpu.wait_dma2 semaphore(%run_scoped3A_305 : memref<!tpu.dma_semaphore, #tpu.memory_space<semaphore_mem>>) src(%dma_wait3A_321 : memref<128xi32, #tpu.memory_space<hbm>>) dst(%arg8 : memref<128xi32, #tpu.memory_space<vmem>>)
        tpu.yield
      }) : () -> ()
      %mul3A_291 = arith.constant 128 : i32
      %mul3A_292 = arith.muli %add3A, %mul3A_291 : i32
      %add3A_293 = arith.constant 319488 : i32
      %add3A_294 = arith.addi %add3A_293, %mul3A_292 : i32
      "tpu.region"() ({
        %run_scoped3A_305 = tpu.sem_alloc : memref<!tpu.dma_semaphore, #tpu.memory_space<semaphore_mem>>
        %dma_start3A_306 = tpu.memref_slice %arg4[%add3A_294] : memref<328704xi32, #tpu.memory_space<hbm>> -> memref<128xi32, #tpu.memory_space<hbm>>
        %dma_start3A_307 = tpu.memref_slice %arg4[%add3A_294] : memref<328704xi32, #tpu.memory_space<hbm>> -> memref<128xi32, #tpu.memory_space<hbm>>
        tpu.enqueue_dma source(%arg8 : memref<128xi32, #tpu.memory_space<vmem>>) target(%dma_start3A_307 : memref<128xi32, #tpu.memory_space<hbm>>) target_semaphore(%run_scoped3A_305 : memref<!tpu.dma_semaphore, #tpu.memory_space<semaphore_mem>>)
        %dma_wait3A_308 = tpu.memref_slice %arg4[%add3A_294] : memref<328704xi32, #tpu.memory_space<hbm>> -> memref<128xi32, #tpu.memory_space<hbm>>
        %dma_wait3A_309 = tpu.memref_slice %arg4[%add3A_294] : memref<328704xi32, #tpu.memory_space<hbm>> -> memref<128xi32, #tpu.memory_space<hbm>>
        tpu.wait_dma2 semaphore(%run_scoped3A_305 : memref<!tpu.dma_semaphore, #tpu.memory_space<semaphore_mem>>) src(%arg8 : memref<128xi32, #tpu.memory_space<vmem>>) dst(%dma_wait3A_309 : memref<128xi32, #tpu.memory_space<hbm>>)
        tpu.yield
      }) : () -> ()
      %mul3A_295 = arith.constant 128 : i32
      %mul3A_296 = arith.muli %add3A, %mul3A_295 : i32
      %add3A_297 = arith.constant 328192 : i32
      %add3A_298 = arith.addi %add3A_297, %mul3A_296 : i32
      %run_scoped3A_299 = arith.constant 0 : i32
      "tpu.region"() ({
        %run_scoped3A_305 = tpu.sem_alloc : memref<!tpu.dma_semaphore, #tpu.memory_space<semaphore_mem>>
        %dma_start3A_306 = arith.constant 0 : i32
        %dma_start3A_307 = tpu.memref_slice %arg9[%run_scoped3A_299, %dma_start3A_306] : memref<2x256xi32, #tpu.memory_space<vmem>> -> memref<1x256xi32, #tpu.memory_space<vmem>>
        %dma_start3A_308 = tpu.memref_squeeze %dma_start3A_307 : memref<1x256xi32, #tpu.memory_space<vmem>> -> memref<256xi32, #tpu.memory_space<vmem>>
        %dma_start3A_309 = arith.constant 0 : i32
        %dma_start3A_310 = tpu.memref_slice %dma_start3A_308[%dma_start3A_309] : memref<256xi32, #tpu.memory_space<vmem>> -> memref<128xi32, #tpu.memory_space<vmem>>
        %dma_start3A_311 = tpu.memref_slice %arg4[%add3A_298] : memref<328704xi32, #tpu.memory_space<hbm>> -> memref<128xi32, #tpu.memory_space<hbm>>
        %dma_start3A_312 = tpu.memref_slice %arg4[%add3A_298] : memref<328704xi32, #tpu.memory_space<hbm>> -> memref<128xi32, #tpu.memory_space<hbm>>
        %dma_start3A_313 = arith.constant 0 : i32
        %dma_start3A_314 = tpu.memref_slice %arg9[%run_scoped3A_299, %dma_start3A_313] : memref<2x256xi32, #tpu.memory_space<vmem>> -> memref<1x256xi32, #tpu.memory_space<vmem>>
        %dma_start3A_315 = tpu.memref_squeeze %dma_start3A_314 : memref<1x256xi32, #tpu.memory_space<vmem>> -> memref<256xi32, #tpu.memory_space<vmem>>
        %dma_start3A_316 = arith.constant 0 : i32
        %dma_start3A_317 = tpu.memref_slice %dma_start3A_315[%dma_start3A_316] : memref<256xi32, #tpu.memory_space<vmem>> -> memref<128xi32, #tpu.memory_space<vmem>>
        tpu.enqueue_dma source(%dma_start3A_317 : memref<128xi32, #tpu.memory_space<vmem>>) target(%dma_start3A_312 : memref<128xi32, #tpu.memory_space<hbm>>) target_semaphore(%run_scoped3A_305 : memref<!tpu.dma_semaphore, #tpu.memory_space<semaphore_mem>>)
        %dma_wait3A_318 = arith.constant 0 : i32
        %dma_wait3A_319 = tpu.memref_slice %arg9[%run_scoped3A_299, %dma_wait3A_318] : memref<2x256xi32, #tpu.memory_space<vmem>> -> memref<1x256xi32, #tpu.memory_space<vmem>>
        %dma_wait3A_320 = tpu.memref_squeeze %dma_wait3A_319 : memref<1x256xi32, #tpu.memory_space<vmem>> -> memref<256xi32, #tpu.memory_space<vmem>>
        %dma_wait3A_321 = arith.constant 0 : i32
        %dma_wait3A_322 = tpu.memref_slice %dma_wait3A_320[%dma_wait3A_321] : memref<256xi32, #tpu.memory_space<vmem>> -> memref<128xi32, #tpu.memory_space<vmem>>
        %dma_wait3A_323 = tpu.memref_slice %arg4[%add3A_298] : memref<328704xi32, #tpu.memory_space<hbm>> -> memref<128xi32, #tpu.memory_space<hbm>>
        %dma_wait3A_324 = tpu.memref_slice %arg4[%add3A_298] : memref<328704xi32, #tpu.memory_space<hbm>> -> memref<128xi32, #tpu.memory_space<hbm>>
        %dma_wait3A_325 = arith.constant 0 : i32
        %dma_wait3A_326 = tpu.memref_slice %arg9[%run_scoped3A_299, %dma_wait3A_325] : memref<2x256xi32, #tpu.memory_space<vmem>> -> memref<1x256xi32, #tpu.memory_space<vmem>>
        %dma_wait3A_327 = tpu.memref_squeeze %dma_wait3A_326 : memref<1x256xi32, #tpu.memory_space<vmem>> -> memref<256xi32, #tpu.memory_space<vmem>>
        %dma_wait3A_328 = arith.constant 0 : i32
        %dma_wait3A_329 = tpu.memref_slice %dma_wait3A_327[%dma_wait3A_328] : memref<256xi32, #tpu.memory_space<vmem>> -> memref<128xi32, #tpu.memory_space<vmem>>
        tpu.wait_dma2 semaphore(%run_scoped3A_305 : memref<!tpu.dma_semaphore, #tpu.memory_space<semaphore_mem>>) src(%dma_wait3A_329 : memref<128xi32, #tpu.memory_space<vmem>>) dst(%dma_wait3A_324 : memref<128xi32, #tpu.memory_space<hbm>>)
        tpu.yield
      }) : () -> ()
      %mul3A_300 = arith.constant 128 : i32
      %mul3A_301 = arith.muli %add3A, %mul3A_300 : i32
      %add3A_302 = arith.constant 328192 : i32
      %add3A_303 = arith.addi %add3A_302, %mul3A_301 : i32
      %run_scoped3A_304 = arith.constant 1 : i32
      "tpu.region"() ({
        %run_scoped3A_305 = tpu.sem_alloc : memref<!tpu.dma_semaphore, #tpu.memory_space<semaphore_mem>>
        %dma_start3A_306 = arith.constant 0 : i32
        %dma_start3A_307 = tpu.memref_slice %arg9[%run_scoped3A_304, %dma_start3A_306] : memref<2x256xi32, #tpu.memory_space<vmem>> -> memref<1x256xi32, #tpu.memory_space<vmem>>
        %dma_start3A_308 = tpu.memref_squeeze %dma_start3A_307 : memref<1x256xi32, #tpu.memory_space<vmem>> -> memref<256xi32, #tpu.memory_space<vmem>>
        %dma_start3A_309 = arith.constant 0 : i32
        %dma_start3A_310 = tpu.memref_slice %dma_start3A_308[%dma_start3A_309] : memref<256xi32, #tpu.memory_space<vmem>> -> memref<128xi32, #tpu.memory_space<vmem>>
        %dma_start3A_311 = tpu.memref_slice %arg5[%add3A_303] : memref<328704xi32, #tpu.memory_space<hbm>> -> memref<128xi32, #tpu.memory_space<hbm>>
        %dma_start3A_312 = tpu.memref_slice %arg5[%add3A_303] : memref<328704xi32, #tpu.memory_space<hbm>> -> memref<128xi32, #tpu.memory_space<hbm>>
        %dma_start3A_313 = arith.constant 0 : i32
        %dma_start3A_314 = tpu.memref_slice %arg9[%run_scoped3A_304, %dma_start3A_313] : memref<2x256xi32, #tpu.memory_space<vmem>> -> memref<1x256xi32, #tpu.memory_space<vmem>>
        %dma_start3A_315 = tpu.memref_squeeze %dma_start3A_314 : memref<1x256xi32, #tpu.memory_space<vmem>> -> memref<256xi32, #tpu.memory_space<vmem>>
        %dma_start3A_316 = arith.constant 0 : i32
        %dma_start3A_317 = tpu.memref_slice %dma_start3A_315[%dma_start3A_316] : memref<256xi32, #tpu.memory_space<vmem>> -> memref<128xi32, #tpu.memory_space<vmem>>
        tpu.enqueue_dma source(%dma_start3A_317 : memref<128xi32, #tpu.memory_space<vmem>>) target(%dma_start3A_312 : memref<128xi32, #tpu.memory_space<hbm>>) target_semaphore(%run_scoped3A_305 : memref<!tpu.dma_semaphore, #tpu.memory_space<semaphore_mem>>)
        %dma_wait3A_318 = arith.constant 0 : i32
        %dma_wait3A_319 = tpu.memref_slice %arg9[%run_scoped3A_304, %dma_wait3A_318] : memref<2x256xi32, #tpu.memory_space<vmem>> -> memref<1x256xi32, #tpu.memory_space<vmem>>
        %dma_wait3A_320 = tpu.memref_squeeze %dma_wait3A_319 : memref<1x256xi32, #tpu.memory_space<vmem>> -> memref<256xi32, #tpu.memory_space<vmem>>
        %dma_wait3A_321 = arith.constant 0 : i32
        %dma_wait3A_322 = tpu.memref_slice %dma_wait3A_320[%dma_wait3A_321] : memref<256xi32, #tpu.memory_space<vmem>> -> memref<128xi32, #tpu.memory_space<vmem>>
        %dma_wait3A_323 = tpu.memref_slice %arg5[%add3A_303] : memref<328704xi32, #tpu.memory_space<hbm>> -> memref<128xi32, #tpu.memory_space<hbm>>
        %dma_wait3A_324 = tpu.memref_slice %arg5[%add3A_303] : memref<328704xi32, #tpu.memory_space<hbm>> -> memref<128xi32, #tpu.memory_space<hbm>>
        %dma_wait3A_325 = arith.constant 0 : i32
        %dma_wait3A_326 = tpu.memref_slice %arg9[%run_scoped3A_304, %dma_wait3A_325] : memref<2x256xi32, #tpu.memory_space<vmem>> -> memref<1x256xi32, #tpu.memory_space<vmem>>
        %dma_wait3A_327 = tpu.memref_squeeze %dma_wait3A_326 : memref<1x256xi32, #tpu.memory_space<vmem>> -> memref<256xi32, #tpu.memory_space<vmem>>
        %dma_wait3A_328 = arith.constant 0 : i32
        %dma_wait3A_329 = tpu.memref_slice %dma_wait3A_327[%dma_wait3A_328] : memref<256xi32, #tpu.memory_space<vmem>> -> memref<128xi32, #tpu.memory_space<vmem>>
        tpu.wait_dma2 semaphore(%run_scoped3A_305 : memref<!tpu.dma_semaphore, #tpu.memory_space<semaphore_mem>>) src(%dma_wait3A_329 : memref<128xi32, #tpu.memory_space<vmem>>) dst(%dma_wait3A_324 : memref<128xi32, #tpu.memory_space<hbm>>)
        tpu.yield
      }) : () -> ()
    } else {
    }
    "tpu.region"() ({
      %run_scoped3A_271 = tpu.sem_alloc : memref<!tpu.dma_semaphore, #tpu.memory_space<semaphore_mem>>
      %dma_start3A_272 = arith.constant 0 : i32
      %dma_start3A_273 = tpu.memref_slice %arg13[%arg1, %dma_start3A_272] : memref<16x10240xf32, #tpu.memory_space<vmem_shared>> -> memref<1x10240xf32, #tpu.memory_space<vmem_shared>>
      %dma_start3A_274 = tpu.memref_squeeze %dma_start3A_273 : memref<1x10240xf32, #tpu.memory_space<vmem_shared>> -> memref<10240xf32, #tpu.memory_space<vmem_shared>>
      %dma_start3A_275 = arith.constant 0 : i32
      %dma_start3A_276 = tpu.memref_slice %arg13[%arg1, %dma_start3A_275] : memref<16x10240xf32, #tpu.memory_space<vmem_shared>> -> memref<1x10240xf32, #tpu.memory_space<vmem_shared>>
      %dma_start3A_277 = tpu.memref_squeeze %dma_start3A_276 : memref<1x10240xf32, #tpu.memory_space<vmem_shared>> -> memref<10240xf32, #tpu.memory_space<vmem_shared>>
      tpu.enqueue_dma source(%arg10 : memref<10240xf32, #tpu.memory_space<vmem>>) target(%dma_start3A_277 : memref<10240xf32, #tpu.memory_space<vmem_shared>>) target_semaphore(%run_scoped3A_271 : memref<!tpu.dma_semaphore, #tpu.memory_space<semaphore_mem>>)
      %dma_wait3A_278 = arith.constant 0 : i32
      %dma_wait3A_279 = tpu.memref_slice %arg13[%arg1, %dma_wait3A_278] : memref<16x10240xf32, #tpu.memory_space<vmem_shared>> -> memref<1x10240xf32, #tpu.memory_space<vmem_shared>>
      %dma_wait3A_280 = tpu.memref_squeeze %dma_wait3A_279 : memref<1x10240xf32, #tpu.memory_space<vmem_shared>> -> memref<10240xf32, #tpu.memory_space<vmem_shared>>
      %dma_wait3A_281 = arith.constant 0 : i32
      %dma_wait3A_282 = tpu.memref_slice %arg13[%arg1, %dma_wait3A_281] : memref<16x10240xf32, #tpu.memory_space<vmem_shared>> -> memref<1x10240xf32, #tpu.memory_space<vmem_shared>>
      %dma_wait3A_283 = tpu.memref_squeeze %dma_wait3A_282 : memref<1x10240xf32, #tpu.memory_space<vmem_shared>> -> memref<10240xf32, #tpu.memory_space<vmem_shared>>
      tpu.wait_dma2 semaphore(%run_scoped3A_271 : memref<!tpu.dma_semaphore, #tpu.memory_space<semaphore_mem>>) src(%arg10 : memref<10240xf32, #tpu.memory_space<vmem>>) dst(%dma_wait3A_283 : memref<10240xf32, #tpu.memory_space<vmem_shared>>)
      tpu.yield
    }) : () -> ()
    %barrier3A = arith.constant 0 : index
    tpu.barrier barrier_id(%barrier3A)
    %mul3A_261 = arith.constant 640 : i32
    %mul3A_262 = arith.muli %arg1, %mul3A_261 : i32
    "tpu.region"() ({
      %run_scoped3A_271 = tpu.sem_alloc : memref<!tpu.dma_semaphore, #tpu.memory_space<semaphore_mem>>
      %dma_start3A_272 = arith.constant 0 : i32
      %dma_start3A_273 = tpu.memref_slice %arg13[%dma_start3A_272, %mul3A_262] : memref<16x10240xf32, #tpu.memory_space<vmem_shared>> -> memref<16x640xf32, #tpu.memory_space<vmem_shared>>
      %dma_start3A_274 = arith.constant 0 : i32
      %dma_start3A_275 = tpu.memref_slice %arg13[%dma_start3A_274, %mul3A_262] : memref<16x10240xf32, #tpu.memory_space<vmem_shared>> -> memref<16x640xf32, #tpu.memory_space<vmem_shared>>
      tpu.enqueue_dma source(%dma_start3A_275 : memref<16x640xf32, #tpu.memory_space<vmem_shared>>) target(%arg11 : memref<16x640xf32, #tpu.memory_space<vmem>>) target_semaphore(%run_scoped3A_271 : memref<!tpu.dma_semaphore, #tpu.memory_space<semaphore_mem>>)
      %dma_wait3A_276 = arith.constant 0 : i32
      %dma_wait3A_277 = tpu.memref_slice %arg13[%dma_wait3A_276, %mul3A_262] : memref<16x10240xf32, #tpu.memory_space<vmem_shared>> -> memref<16x640xf32, #tpu.memory_space<vmem_shared>>
      %dma_wait3A_278 = arith.constant 0 : i32
      %dma_wait3A_279 = tpu.memref_slice %arg13[%dma_wait3A_278, %mul3A_262] : memref<16x10240xf32, #tpu.memory_space<vmem_shared>> -> memref<16x640xf32, #tpu.memory_space<vmem_shared>>
      tpu.wait_dma2 semaphore(%run_scoped3A_271 : memref<!tpu.dma_semaphore, #tpu.memory_space<semaphore_mem>>) src(%dma_wait3A_279 : memref<16x640xf32, #tpu.memory_space<vmem_shared>>) dst(%arg11 : memref<16x640xf32, #tpu.memory_space<vmem>>)
      tpu.yield
    }) : () -> ()
    %scan3A_263 = arith.constant 0 : i32
    %scan3A_264 = arith.constant 0 : i32
    %scan3A_265 = arith.constant 40 : i32
    %scan3A_266 = arith.addi %scan3A_264, %scan3A_265 : i32
    %scan3A_267 = arith.constant 1 : i32
    scf.for %scan3A_271 = %scan3A_264 to %scan3A_266 step %scan3A_267  : i32 {
      %mul3A_272 = arith.constant 16 : i32
      %mul3A_273 = arith.muli %mul3A_272, %scan3A_271 : i32
      %get3A = arith.constant 0 : i32
      %get3A_274 = arith.index_cast %get3A : i32 to index
      %get3A_275 = arith.index_cast %mul3A_273 : i32 to index
      %get3A_276 = tpu.vector_load %arg11[%get3A_274, %get3A_275] {strides = array<i32>} : memref<16x640xf32, #tpu.memory_space<vmem>>, vector<16xf32>,
      %get3A_277 = arith.constant 1 : i32
      %get3A_278 = arith.index_cast %get3A_277 : i32 to index
      %get3A_279 = arith.index_cast %mul3A_273 : i32 to index
      %get3A_280 = tpu.vector_load %arg11[%get3A_278, %get3A_279] {strides = array<i32>} : memref<16x640xf32, #tpu.memory_space<vmem>>, vector<16xf32>,
      %add3A_281 = arith.addf %get3A_276, %get3A_280 : vector<16xf32>
      %get3A_282 = arith.constant 2 : i32
      %get3A_283 = arith.index_cast %get3A_282 : i32 to index
      %get3A_284 = arith.index_cast %mul3A_273 : i32 to index
      %get3A_285 = tpu.vector_load %arg11[%get3A_283, %get3A_284] {strides = array<i32>} : memref<16x640xf32, #tpu.memory_space<vmem>>, vector<16xf32>,
      %add3A_286 = arith.addf %add3A_281, %get3A_285 : vector<16xf32>
      %get3A_287 = arith.constant 3 : i32
      %get3A_288 = arith.index_cast %get3A_287 : i32 to index
      %get3A_289 = arith.index_cast %mul3A_273 : i32 to index
      %get3A_290 = tpu.vector_load %arg11[%get3A_288, %get3A_289] {strides = array<i32>} : memref<16x640xf32, #tpu.memory_space<vmem>>, vector<16xf32>,
      %add3A_291 = arith.addf %add3A_286, %get3A_290 : vector<16xf32>
      %get3A_292 = arith.constant 4 : i32
      %get3A_293 = arith.index_cast %get3A_292 : i32 to index
      %get3A_294 = arith.index_cast %mul3A_273 : i32 to index
      %get3A_295 = tpu.vector_load %arg11[%get3A_293, %get3A_294] {strides = array<i32>} : memref<16x640xf32, #tpu.memory_space<vmem>>, vector<16xf32>,
      %add3A_296 = arith.addf %add3A_291, %get3A_295 : vector<16xf32>
      %get3A_297 = arith.constant 5 : i32
      %get3A_298 = arith.index_cast %get3A_297 : i32 to index
      %get3A_299 = arith.index_cast %mul3A_273 : i32 to index
      %get3A_300 = tpu.vector_load %arg11[%get3A_298, %get3A_299] {strides = array<i32>} : memref<16x640xf32, #tpu.memory_space<vmem>>, vector<16xf32>,
      %add3A_301 = arith.addf %add3A_296, %get3A_300 : vector<16xf32>
      %get3A_302 = arith.constant 6 : i32
      %get3A_303 = arith.index_cast %get3A_302 : i32 to index
      %get3A_304 = arith.index_cast %mul3A_273 : i32 to index
      %get3A_305 = tpu.vector_load %arg11[%get3A_303, %get3A_304] {strides = array<i32>} : memref<16x640xf32, #tpu.memory_space<vmem>>, vector<16xf32>,
      %add3A_306 = arith.addf %add3A_301, %get3A_305 : vector<16xf32>
      %get3A_307 = arith.constant 7 : i32
      %get3A_308 = arith.index_cast %get3A_307 : i32 to index
      %get3A_309 = arith.index_cast %mul3A_273 : i32 to index
      %get3A_310 = tpu.vector_load %arg11[%get3A_308, %get3A_309] {strides = array<i32>} : memref<16x640xf32, #tpu.memory_space<vmem>>, vector<16xf32>,
      %add3A_311 = arith.addf %add3A_306, %get3A_310 : vector<16xf32>
      %get3A_312 = arith.constant 8 : i32
      %get3A_313 = arith.index_cast %get3A_312 : i32 to index
      %get3A_314 = arith.index_cast %mul3A_273 : i32 to index
      %get3A_315 = tpu.vector_load %arg11[%get3A_313, %get3A_314] {strides = array<i32>} : memref<16x640xf32, #tpu.memory_space<vmem>>, vector<16xf32>,
      %add3A_316 = arith.addf %add3A_311, %get3A_315 : vector<16xf32>
      %get3A_317 = arith.constant 9 : i32
      %get3A_318 = arith.index_cast %get3A_317 : i32 to index
      %get3A_319 = arith.index_cast %mul3A_273 : i32 to index
      %get3A_320 = tpu.vector_load %arg11[%get3A_318, %get3A_319] {strides = array<i32>} : memref<16x640xf32, #tpu.memory_space<vmem>>, vector<16xf32>,
      %add3A_321 = arith.addf %add3A_316, %get3A_320 : vector<16xf32>
      %get3A_322 = arith.constant 10 : i32
      %get3A_323 = arith.index_cast %get3A_322 : i32 to index
      %get3A_324 = arith.index_cast %mul3A_273 : i32 to index
      %get3A_325 = tpu.vector_load %arg11[%get3A_323, %get3A_324] {strides = array<i32>} : memref<16x640xf32, #tpu.memory_space<vmem>>, vector<16xf32>,
      %add3A_326 = arith.addf %add3A_321, %get3A_325 : vector<16xf32>
      %get3A_327 = arith.constant 11 : i32
      %get3A_328 = arith.index_cast %get3A_327 : i32 to index
      %get3A_329 = arith.index_cast %mul3A_273 : i32 to index
      %get3A_330 = tpu.vector_load %arg11[%get3A_328, %get3A_329] {strides = array<i32>} : memref<16x640xf32, #tpu.memory_space<vmem>>, vector<16xf32>,
      %add3A_331 = arith.addf %add3A_326, %get3A_330 : vector<16xf32>
      %get3A_332 = arith.constant 12 : i32
      %get3A_333 = arith.index_cast %get3A_332 : i32 to index
      %get3A_334 = arith.index_cast %mul3A_273 : i32 to index
      %get3A_335 = tpu.vector_load %arg11[%get3A_333, %get3A_334] {strides = array<i32>} : memref<16x640xf32, #tpu.memory_space<vmem>>, vector<16xf32>,
      %add3A_336 = arith.addf %add3A_331, %get3A_335 : vector<16xf32>
      %get3A_337 = arith.constant 13 : i32
      %get3A_338 = arith.index_cast %get3A_337 : i32 to index
      %get3A_339 = arith.index_cast %mul3A_273 : i32 to index
      %get3A_340 = tpu.vector_load %arg11[%get3A_338, %get3A_339] {strides = array<i32>} : memref<16x640xf32, #tpu.memory_space<vmem>>, vector<16xf32>,
      %add3A_341 = arith.addf %add3A_336, %get3A_340 : vector<16xf32>
      %get3A_342 = arith.constant 14 : i32
      %get3A_343 = arith.index_cast %get3A_342 : i32 to index
      %get3A_344 = arith.index_cast %mul3A_273 : i32 to index
      %get3A_345 = tpu.vector_load %arg11[%get3A_343, %get3A_344] {strides = array<i32>} : memref<16x640xf32, #tpu.memory_space<vmem>>, vector<16xf32>,
      %add3A_346 = arith.addf %add3A_341, %get3A_345 : vector<16xf32>
      %get3A_347 = arith.constant 15 : i32
      %get3A_348 = arith.index_cast %get3A_347 : i32 to index
      %get3A_349 = arith.index_cast %mul3A_273 : i32 to index
      %get3A_350 = tpu.vector_load %arg11[%get3A_348, %get3A_349] {strides = array<i32>} : memref<16x640xf32, #tpu.memory_space<vmem>>, vector<16xf32>,
      %add3A_351 = arith.addf %add3A_346, %get3A_350 : vector<16xf32>
      %swap3A_352 = arith.index_cast %mul3A_273 : i32 to index
      %swap3A_353 = tpu.vector_load %arg12[%swap3A_352] {strides = array<i32>} : memref<640xf32, #tpu.memory_space<vmem>>, vector<16xf32>,
      tpu.vector_store %arg12[%swap3A_352], %add3A_351 {strides = array<i32>} : memref<640xf32, #tpu.memory_space<vmem>>, vector<16xf32>,
    }
    %scan3A_268 = arith.constant 40 : i32
    %mul3A_269 = arith.constant 640 : i32
    %mul3A_270 = arith.muli %arg1, %mul3A_269 : i32
    "tpu.region"() ({
      %run_scoped3A_271 = tpu.sem_alloc : memref<!tpu.dma_semaphore, #tpu.memory_space<semaphore_mem>>
      %dma_start3A_272 = arith.constant 0 : i32
      %dma_start3A_273 = tpu.memref_slice %arg3[%arg0, %dma_start3A_272] : memref<2x10240xf32, #tpu.memory_space<hbm>> -> memref<1x10240xf32, #tpu.memory_space<hbm>>
      %dma_start3A_274 = tpu.memref_squeeze %dma_start3A_273 : memref<1x10240xf32, #tpu.memory_space<hbm>> -> memref<10240xf32, #tpu.memory_space<hbm>>
      %dma_start3A_275 = tpu.memref_slice %dma_start3A_274[%mul3A_270] : memref<10240xf32, #tpu.memory_space<hbm>> -> memref<640xf32, #tpu.memory_space<hbm>>
      %dma_start3A_276 = arith.constant 0 : i32
      %dma_start3A_277 = tpu.memref_slice %arg3[%arg0, %dma_start3A_276] : memref<2x10240xf32, #tpu.memory_space<hbm>> -> memref<1x10240xf32, #tpu.memory_space<hbm>>
      %dma_start3A_278 = tpu.memref_squeeze %dma_start3A_277 : memref<1x10240xf32, #tpu.memory_space<hbm>> -> memref<10240xf32, #tpu.memory_space<hbm>>
      %dma_start3A_279 = tpu.memref_slice %dma_start3A_278[%mul3A_270] : memref<10240xf32, #tpu.memory_space<hbm>> -> memref<640xf32, #tpu.memory_space<hbm>>
      tpu.enqueue_dma source(%arg12 : memref<640xf32, #tpu.memory_space<vmem>>) target(%dma_start3A_279 : memref<640xf32, #tpu.memory_space<hbm>>) target_semaphore(%run_scoped3A_271 : memref<!tpu.dma_semaphore, #tpu.memory_space<semaphore_mem>>)
      %dma_wait3A_280 = arith.constant 0 : i32
      %dma_wait3A_281 = tpu.memref_slice %arg3[%arg0, %dma_wait3A_280] : memref<2x10240xf32, #tpu.memory_space<hbm>> -> memref<1x10240xf32, #tpu.memory_space<hbm>>
      %dma_wait3A_282 = tpu.memref_squeeze %dma_wait3A_281 : memref<1x10240xf32, #tpu.memory_space<hbm>> -> memref<10240xf32, #tpu.memory_space<hbm>>
      %dma_wait3A_283 = tpu.memref_slice %dma_wait3A_282[%mul3A_270] : memref<10240xf32, #tpu.memory_space<hbm>> -> memref<640xf32, #tpu.memory_space<hbm>>
      %dma_wait3A_284 = arith.constant 0 : i32
      %dma_wait3A_285 = tpu.memref_slice %arg3[%arg0, %dma_wait3A_284] : memref<2x10240xf32, #tpu.memory_space<hbm>> -> memref<1x10240xf32, #tpu.memory_space<hbm>>
      %dma_wait3A_286 = tpu.memref_squeeze %dma_wait3A_285 : memref<1x10240xf32, #tpu.memory_space<hbm>> -> memref<10240xf32, #tpu.memory_space<hbm>>
      %dma_wait3A_287 = tpu.memref_slice %dma_wait3A_286[%mul3A_270] : memref<10240xf32, #tpu.memory_space<hbm>> -> memref<640xf32, #tpu.memory_space<hbm>>
      tpu.wait_dma2 semaphore(%run_scoped3A_271 : memref<!tpu.dma_semaphore, #tpu.memory_space<semaphore_mem>>) src(%arg12 : memref<640xf32, #tpu.memory_space<vmem>>) dst(%dma_wait3A_287 : memref<640xf32, #tpu.memory_space<hbm>>)
      tpu.yield
    }) : () -> ()
    return
  }
}

</mosaic_0001>

<sc_bundles>
// kernel: _deg_call.3.cloned.1.call-start
scs
__scs_entry_jumppad:
0x0: {  	(pc) =	sbr.rel $0x88, $3  }
0x1: {  	(tag) =	ssettag $0x0;
	lr =	simm.s32 $0x1  }
0x2: {  	[smem:$0x3FA0] =	sst lr;
	_ =	strace $0xD0000000  }
0x3: {  	_ = 	snop  }
0x4: {  	_ = 	snop  }
0x5: {  	_ = 	snop  }
0x6: {  	_ = 	snop  }
0x7: {  	_ = 	snop  }
__scs_overlays_trampoline_lowered:
0x8: {  	[smem:$0x3FAF] =	sst s0  }
0x9: {  	[smem:$0x3FB0] =	sst s1  }
0xa: {  	[smem:$0x3FB1] =	sst s2  }
0xb: {  	[smem:$0x3FB2] =	sst s3  }
0xc: {  	[smem:$0x3FB3] =	sst s4  }
0xd: {  	[smem:$0x3FB4] =	sst s5  }
0xe: {  	[smem:$0x3FB5] =	sst s6  }
0xf: {  	[smem:$0x3FB6] =	sst s7  }
0x10: {  	[smem:$0x3FB7] =	sst s8  }
0x11: {  	[smem:$0x3FB8] =	sst s9;
	s0 =	simm.s32 @!p0 $0x0  }
0x12: {  	s1 =	sld [smem:$0x3F9E];
	s0 =	simm.s32 @p0 $0x1  }
0x13: {  	[smem:$0x3FB9] =	sst s0;
	s0 =	simm.s32 @!p1 $0x0  }
0x14: {  	s2 =	sld [smem:$0x3F9D];
	s0 =	simm.s32 @p1 $0x1  }
0x15: {  	[smem:$0x3FBA] =	sst s0;
	s0 =	simm.s32 @!p2 $0x0  }
0x16: {  	s3 =	sld [smem:$0x3FDB];
	s0 =	simm.s32 @p2 $0x1  }
0x17: {  	s4 =	simm.s32 $0x1BF5;
	[smem:$0x3FBC] =	sst s0  }
0x18: {  	s0 =	sld [smem:$0x3F9F];
	_ =	swait.ge [sflag:s4], $0x0  }
0x19: {  	s7 =	sld [smem:$0x3FA0]  }
0x1a: {  	s8 =	sadd.s32 $0xFFFFE003, lr  }
0x1b: {  	s9 =	sadd.s32 $0xFFFFFEF7, lr;
	s5 =	simm.s32 $0xFFFFFFFF;
	p2 =	slt.u32 s8, $0xFFFFF086  }
0x1c: {  	p1 =	slt.u32 s9, $0xF7A;
	s5 =	simm.s32 @!p2 $0x0  }
0x1d: {  	s5 =	simm.s32 @p1 $0x1;
	p0 =	seq.s32 s7, s2  }
0x1e: {  	s7 =	smul.u32 @!p0 $0xF7A, s2;
	p2 =	seq.s32 @!p0 s5, $0x0  }
0x1f: {  	s9 =	smul.u32 $0xF7A, s1;
	s8 =	simm.s32 @!p0 $0x1BF5;
	p2 =	por !p2, p0  }
0x20: {  	[sflag:s8] =	ssyncset.s32 @!p0 $0xFFFFF086;
	s6 =	sadd.s32 @!p0 s3, s7;
	s7 =	simm.s32 @!p0 $0x108  }
0x21: {  	s3 =	sadd.s32 s3, s9;
	s6 =	sadd.s32 @!p0 $0x88, s6;
	s7 =	simm.s32 @p2 $0x1082  }
0x22: {  	[simem:s7], [sflag:s8] =	dma.local @!p0 [hbm:s6], $0xF7A  }
0x23: {  	s9 =	sor.u32 $0xD0000000, s2;
	s6 =	simm.s32 $0x108;
	_ =	swait.ge @!p0 [sflag:s8], $0x0  }
0x24: {  	s3 =	sadd.s32 $0x88, s3;
	s6 =	simm.s32 @!p1 $0x1082;
	[sflag:s4] =	ssyncset.s32 $0xFFFFF086  }
0x25: {  	[simem:s6], [sflag:s4] =	dma.local [hbm:s3], $0xF7A  }
0x26: {  	[smem:$0x3FA0] =	sst s1;
	(tag) =	ssettag s2;
	_ =	strace s9  }
0x27: {  	s1 =	sld [smem:$0x3FB0]  }
0x28: {  	s2 =	sld [smem:$0x3FB1]  }
0x29: {  	s4 =	sld [smem:$0x3FB3]  }
0x2a: {  	p0 =	seq.s32 s5, $0x0;
	s5 =	sld [smem:$0x3FB4]  }
0x2b: {  	s6 =	sld [smem:$0x3FB5]  }
0x2c: {  	s7 =	sld [smem:$0x3FB6]  }
0x2d: {  	s3 =	simm.s32 $0x108;
	s8 =	sld [smem:$0x3FB7]  }
0x2e: {  	s3 =	simm.s32 @!p0 $0x1082;
	s9 =	sld [smem:$0x3FB8]  }
0x2f: {  	lr =	sadd.s32 s0, s3;
	s0 =	sld [smem:$0x3FAF]  }
0x30: {  	s3 =	sld [smem:$0x3FB2]  }
0x31: {  	[smem:$0x3FBB] =	sst s10  }
0x32: {  	s10 =	sld [smem:$0x3FB9];
	_ =	sdelay $0x3  }
0x33: {  	p0 =	seq.s32 s10, $0x1;
	s10 =	sld [smem:$0x3FBB];
	_ =	sdelay $0x3  }
0x34: {  	[smem:$0x3FBB] =	sst s10  }
0x35: {  	s10 =	sld [smem:$0x3FBA];
	_ =	sdelay $0x3  }
0x36: {  	p1 =	seq.s32 s10, $0x1;
	s10 =	sld [smem:$0x3FBB];
	_ =	sdelay $0x3  }
0x37: {  	[smem:$0x3FBB] =	sst s10  }
0x38: {  	s10 =	sld [smem:$0x3FBC]  }
0x39: {  	_ = 	snop;
	(pc) =	sbr.ind lr, $3  }
0x3a: {  	_ = 	snop  }
0x3b: {  	_ = 	snop  }
0x3c: {  	p2 =	seq.s32 s10, $0x1;
	s10 =	sld [smem:$0x3FBB]  }
0x3d: {  	_ =	shalt  }
0x3e: {  	_ =	shalt  }
0x3f: {  	_ =	shalt  }
0x40: {  	_ =	shalt  }
0x41: {  	_ =	shalt  }
0x42: {  	_ =	shalt  }
0x43: {  	_ =	shalt  }
0x44: {  	_ =	shalt  }
0x45: {  	_ =	shalt  }
0x46: {  	_ =	shalt  }
0x47: {  	_ =	shalt  }
0x48: {  	_ =	shalt  }
0x49: {  	_ =	shalt  }
0x4a: {  	_ =	shalt  }
0x4b: {  	_ =	shalt  }
0x4c: {  	_ =	shalt  }
0x4d: {  	_ =	shalt  }
0x4e: {  	_ =	shalt  }
0x4f: {  	_ =	shalt  }
0x50: {  	_ =	shalt  }
0x51: {  	_ =	shalt  }
0x52: {  	_ =	shalt  }
0x53: {  	_ =	shalt  }
0x54: {  	_ =	shalt  }
0x55: {  	_ =	shalt  }
0x56: {  	_ =	shalt  }
0x57: {  	_ =	shalt  }
0x58: {  	_ =	shalt  }
0x59: {  	_ =	shalt  }
0x5a: {  	_ =	shalt  }
0x5b: {  	_ =	shalt  }
0x5c: {  	_ =	shalt  }
0x5d: {  	_ =	shalt  }
0x5e: {  	_ =	shalt  }
0x5f: {  	_ =	shalt  }
0x60: {  	_ =	shalt  }
0x61: {  	_ =	shalt  }
0x62: {  	_ =	shalt  }
0x63: {  	_ =	shalt  }
0x64: {  	_ =	shalt  }
0x65: {  	_ =	shalt  }
0x66: {  	_ =	shalt  }
0x67: {  	_ =	shalt  }
0x68: {  	_ =	shalt  }
0x69: {  	_ =	shalt  }
0x6a: {  	_ =	shalt  }
0x6b: {  	_ =	shalt  }
0x6c: {  	_ =	shalt  }
0x6d: {  	_ =	shalt  }
0x6e: {  	_ =	shalt  }
0x6f: {  	_ =	shalt  }
0x70: {  	_ =	shalt  }
0x71: {  	_ =	shalt  }
0x72: {  	_ =	shalt  }
0x73: {  	_ =	shalt  }
0x74: {  	_ =	shalt  }
0x75: {  	_ =	shalt  }
0x76: {  	_ =	shalt  }
0x77: {  	_ =	shalt  }
0x78: {  	_ =	shalt  }
0x79: {  	_ =	shalt  }
0x7a: {  	_ =	shalt  }
0x7b: {  	_ =	shalt  }
0x7c: {  	_ =	shalt  }
0x7d: {  	_ =	shalt  }
0x7e: {  	_ =	shalt  }
0x7f: {  	_ =	shalt  }
0x80: {  	_ =	shalt  }
0x81: {  	_ =	shalt  }
0x82: {  	_ =	shalt  }
0x83: {  	_ =	shalt  }
0x84: {  	_ =	shalt  }
0x85: {  	_ =	shalt  }
0x86: {  	_ =	shalt  }
0x87: {  	_ =	shalt  }
.Lfunc_end0:
.L_simem_size_0:
called_computation_lowered:
.L_overlay_start_0:
0x88: {  	s2 =	sld [smem:$0x3FD9]  }
0x89: {  	s3 =	sld [smem:$0x3FFE];
	_ =	sdelay $0x1  }
0x8a: {  	s1 =	srdreg.scid  }
0x8b: {  	s0 =	sand.u32 $0x1, s1  }
0x8c: {  	s15 =	sshll.u32 s0, $0xA;
	s2 =	sadd.s32 s3, s2  }
0x8d: {  	s2 =	sadd.s32 s2, s15  }
0x8e: {  	[smem:$0x3FC7] =	sst s2  }
0x8f: {  	_ = 	snop  }
0x90: {  	s2 =	sld [smem:$0x3FD0];
	_ =	sdelay $0x2  }
0x91: {  	s4 =	simm.s32 $0xA;
	s5 =	simm.s32 $0x10;
	s16 =	sld [smem:$0x3FC9]  }
0x92: {  	[smem:s5], [sflag:s4] =	dma.local [hbm:s2], $0x1  }
0x93: {  	_ =	swait.eq [sflag:s4], $0x1  }
0x94: {  	s17 =	sld [smem:$0x10];
	[sflag:s4] =	ssyncset.done $0x0  }
0x95: {  	s18 =	sld [smem:$0x11];
	[sflag:s4] =	ssyncadd.s32 $0xFFFFFFFF  }
0x96: {  	s19 =	sld [smem:$0x12];
	(tm) =	ssettm $0x1  }
0x97: {  	s6 =	sld [smem:$0x3FFB];
	_ =	sdelay $0x3  }
0x98: {  	_ =	strace s6  }
0x99: {  	s6 =	sld [smem:$0x3FFC];
	_ =	sdelay $0x3  }
0x9a: {  	_ =	strace s6  }
0x9b: {  	s6 =	sld [smem:$0x3FFD];
	_ =	sdelay $0x3  }
0x9c: {  	_ =	strace s6  }
0x9d: {  	_ =	strace $0x8FFFFFFF  }
0x9e: {  	s20 =	sld [smem:$0x3FDB];
	_ =	sdelay $0x1  }
0x9f: {  	s7 =	simm.s32 $_scs_section_size  }
0xa0: {  	s8 =	simm.s32 $_size__tile_overlayer_lowered;
	s9 =	simm.s32 $_tile_overlayer_lowered  }
0xa1: {  	s23 =	simm.s32 $0x1BFF;
	s22 =	sshll.u32 s9, $0x1;
	s6 =	sadd.s32 s7, s20  }
0xa2: {  	s10 =	simm.s32 $0x0;
	s21 =	sshll.u32 s8, $0x1;
	s8 =	sadd.s32 s22, s6  }
0xa3: {  	[timem:s10], [sflag:s23] =	dma.local [hbm:s8], s21  }
0xa4: {  	_ =	swait.ge [sflag:s23], s21  }
0xa5: {  	s7 =	ssub.s32 $0x0, s21;
	[sflag:s23] =	ssyncset.done $0x0  }
0xa6: {  	[sflag:s23] =	ssyncadd.s32 s7;
	_ =	sdelay $0x1  }
0xa7: {  	s24 =	simm.s32 $0x1B8B  }
0xa8: {  	_ =	swait.ge [sflag:s24], $0x1  }
0xa9: {  	[sflag:s24] =	ssyncset.done $0x0  }
0xaa: {  	s25 =	simm.s32 $0x1B8E;
	[sflag:s24] =	ssyncadd.s32 $0xFFFFFFFF  }
0xab: {  	s26 =	simm.s32 $execute0_lowered;
	[smem:$0x3FD2] =	sst s25  }
0xac: {  	s7 =	sshll.u32 s26, $0x1;
	_ =	strace $0x80000046;
	[dreg:$0x1] =	wrdreg $0xFFFFFFFF  }
0xad: {  	s28 =	simm.s32 $_size_execute0_lowered;
	s6 =	sadd.s32 s6, s7;
	[dreg:$0x0] =	wrdreg $0x0  }
0xae: {  	s7 =	sshll.u32 s28, $0x1;
	[dreg:$0x2] =	wrdreg s6  }
0xaf: {  	[dreg:$0x3] =	wrdreg s7  }
0xb0: {  	[dreg:$0x4] =	wrdreg $0xC0  }
0xb1: {  	_ =	task [dreg:s10], $0x5FFFF  }
0xb2: {  	[dreg:$0x1] =	wrdreg $0xFFFFFFFF  }
0xb3: {  	[dreg:$0x0] =	wrdreg $0x60  }
0xb4: {  	[dreg:$0x2] =	wrdreg s16  }
0xb5: {  	[dreg:$0x3] =	wrdreg s17  }
0xb6: {  	[dreg:$0x4] =	wrdreg s18  }
0xb7: {  	[dreg:$0x5] =	wrdreg s19  }
0xb8: {  	[dreg:$0x6] =	wrdreg $0xA3000  }
0xb9: {  	[dreg:$0x7] =	wrdreg $0x9  }
0xba: {  	_ =	task.clear_ibuf [dreg:s10], $0x8FFFF;
	_ =	strace $0x90000046  }
0xbb: {  	s29 =	simm.s32 $0x9;
	_ =	strace $0x80000048  }
0xbc: {  	_ =	swait.ge [sflag:s29], $0x1  }
0xbd: {  	[sflag:s29] =	ssyncadd.s32 $0xFFFFFFFF  }
0xbe: {  	_ =	strace $0x90000048  }
0xbf: {  	_ =	sfence  }
0xc0: {  	s30 =	sld [smem:$0x0];
	_ =	sdelay $0x2  }
0xc1: {  	s31 =	sshll.u32 s1, $0xD;
	s1 =	sshrl.u32 s1, $0x2  }
0xc2: {  	s3 =	sand.u32 $0x4000, s31;
	s1 =	sadd.s32 s1, s30  }
0xc3: {  	s0 =	sor.u32 s3, s0;
	s1 =	sshll.u32 s1, $0x11  }
0xc4: {  	s0 =	sor.u32 s1, s0  }
0xc5: {  	s0 =	sadd.s32 $0x8F2B, s0  }
0xc6: {  	[sflag:s0] =	ssyncadd.remote.s32 $0x1  }
0xc7: {  	_ =	sfence.sel $0xFFFF  }
0xc8: {  	[dreg:$0x0] =	wrdreg $0xFFFFFFFF;
	(pc) =	sbr.abs _section_cstart, $3  }
0xc9: {  	[dreg:$0x1] =	wrdreg $0xFFFFFFFF  }
0xca: {  	_ =	task.clear_ibuf [dreg:s10], $0x2FFFF;
	_ =	strace $0x9FFFFFFF  }
0xcb: {  	(tm) =	ssettm $0x7FFFFFFF  }
tec
execute0_lowered:
.L_overlay_start_1:
0x0: {  	(tag) =	ssettag $0x1  }
0x1: {  	s0 =	rddreg [dreg:$0x0]  }
0x2: {  	s1 =	rddreg [dreg:$0x1]  }
0x3: {  	s2 =	rddreg [dreg:$0x2]  }
0x4: {  	s14 =	rddreg [dreg:$0x3]  }
0x5: {  	s16 =	rddreg [dreg:$0x4];
	s3 =	srdreg.scid  }
0x6: {  	s4 =	simm.s32 $0x0;
	s21 =	stileid.u32;
	s30 =	simm.s32 $0x5080  }
0x7: {  	s3 =	sand.u32 $0x1, s3;
	[smem:$0x7FF] =	sst s4;
	s9 =	sadd.s32 $0x10, s0  }
0x8: {  	s15 =	sshll.u32 s21, $0x7;
	s13 =	sshrl.u32 s21, $0x3;
	s20 =	smul.u32 $0x5000, s21  }
0x9: {  	s24 =	sshll.u32 s21, $0x4;
	s31 =	smul.u32 $0xA0, s21;
	s17 =	sshll.u32 s3, $0x4  }
0xa: {  	s3 =	ssub.s32 $0x2, s3;
	_ =	strace $0x80000047;
	s10 =	sor.u32 $0x4E000, s15  }
0xb: {  	s19 =	smul.u32 $0x50000, s13;
	s26 =	sand.u32 $0x380, s15;
	s23 =	sor.u32 s21, s17  }
0xc: {  	s22 =	sshrl.u32 s3, $0x1;
	s11 =	sshrl.u32 s10, $0x2;
	s12 =	sshrl.u32 s10, $0x3  }
0xd: {  	s28 =	sshrl.u32 s20, $0x2;
	s29 =	sadd.s32 s1, s17;
	s20 =	simm.s32 $0x2700  }
0xe: {  	s21 =	simm.s32 $0x1;
	s5 =	smul.u32 $0x9C0, s23;
	s18 =	ssub.s32 s3, s22  }
0xf: {  	s6 =	smul.u32 $0x4E0, s23;
	s7 =	sshll.u32 s23, $0x5;
	s10 =	sadd.s32 s14, s12  }
0x10: {  	s12 =	sadd.s32 s2, s12;
	s25 =	sshrl.u32 s19, $0x2;
	s19 =	simm.s32 $0x100  }
0x11: {  	s22 =	simm.s32 $0x3;
	p0 =	sgt.u32 s23, $0x3;
	s23 =	simm.s32 $0x2  }
0x12: {  	s8 =	sadd.s32 $0x9C40, s7;
	s17 =	smax.u32 s18, $0x1;
	s18 =	simm.s32 $0x80  }
0x13: {  	s3 =	sadd.s32 s5, s9;
	s4 =	sadd.s32 s0, s5;
	s5 =	sadd.s32 s14, s6  }
0x14: {  	s6 =	sadd.s32 s2, s6;
	s7 =	sadd.s32 s2, s8;
	s8 =	sadd.s32 s14, s8  }
0x15: {  	s9 =	sadd.s32 s11, s9;
	s11 =	sadd.s32 s0, s11;
	s0 =	sadd.s32 $0xA040, s24  }
0x16: {  	s24 =	sadd.s32 s31, s29;
	s13 =	sadd.s32 s2, s0;
	s14 =	sadd.s32 s14, s0  }
0x17: {  	v0 =	vimm.f32 $0.0e+00;
	s0 =	sadd.s32 s25, s16;
	s16 =	sadd.s32 s28, s16;
	s2 =	simm.s32 $0x7880  }
0x18: {  	v1 =	vimm.s32 $0x0;
	v2 =	vimm.s32 $0x2710;
	v3 =	vimm.f32 $1.000000000e+00;
	s25 =	simm.s32 $0xA080;
	s15 =	sadd.s32 s26, s0;
	s26 =	simm.s32 $0x0  }
.LBB2_1:
0x19: {  	s0 =	simm.s32 $0x0  }
0x1a: {  	[tilespmem:s0], [sflag:$0x1] =	stream.strided.gather [hbm4b:s3+s18], $0x2700, s19, s18, $0x38;
	[tilespmem:$0xCB00] =	vst v63  }
0x1b: {  	s28 =	simm.s32 $0x0;
	s0 =	simm.s32 $0x40  }
0x1c: {  	[tilespmem:s20], [sflag:$0x2] =	stream.strided.gather [hbm4b:s4+s18], $0x2700, s19, s18, $0x38;
	[tilespmem:$0xCB00] =	vst v63  }
.LBB2_2:
0x1d: {  	p1 =	sne.s32 s0, $0x9FC0;
	[tilespmem:s28+$0x5080] =	vst v0;
	s28 =	smov.u32 s0;
	s0 =	sadd.s32 $0x40, s0  }
.Ltmp0:
0x1e: {  	(pc) =	sbr.rel @p1 .LBB2_2-.Ltmp0, $2  }
0x1f: {  	_ =	sdelay $0x2  }
0x20: {  	s28 =	sshra.s32 s28, $0x2  }
0x21: {  	[tilespmem:s28+$0x5080] =	vst v0  }
0x22: {  	_ =	swait.ge [sflag:s21], $0x2700  }
0x23: {  	[sflag:s21] =	ssyncset.done $0x0  }
0x24: {  	s0 =	simm.s32 $0x0;
	[sflag:s21] =	ssyncadd.s32 $0xFFFFD900  }
0x25: {  	[hbm4b:s5+s0] =	stream.linear.scatter [tilespmem:s0], [sflag:$0x3], $0x2700, $0x38;
	[tilespmem:$0xCB00] =	vst v63  }
0x26: {  	_ =	swait.ge [sflag:s22], $0x2700  }
0x27: {  	[sflag:s22] =	ssyncset.done $0x0  }
0x28: {  	[sflag:s22] =	ssyncadd.s32 $0xFFFFD900  }
0x29: {  	_ =	swait.ge [sflag:s23], $0x2700  }
0x2a: {  	[sflag:s23] =	ssyncset.done $0x0  }
0x2b: {  	[sflag:s23] =	ssyncadd.s32 $0xFFFFD900  }
0x2c: {  	[hbm4b:s6+s0] =	stream.linear.scatter [tilespmem:s20], [sflag:$0x3], $0x2700, $0x38;
	[tilespmem:$0xCB00] =	vst v63  }
0x2d: {  	_ =	swait.ge [sflag:s22], $0x2700  }
0x2e: {  	[sflag:s22] =	ssyncset.done $0x0  }
0x2f: {  	[sflag:s22] =	ssyncadd.s32 $0xFFFFD900  }
0x30: {  	[tilespmem:$0x4E80] =	vst v1  }
0x31: {  	[tilespmem:$0x4F00] =	vst v2  }
0x32: {  	[tilespmem:$0x4E90] =	vst v1  }
0x33: {  	[tilespmem:$0x4F10] =	vst v2  }
0x34: {  	[tilespmem:$0x4EA0] =	vst v1  }
0x35: {  	[tilespmem:$0x4F20] =	vst v2  }
0x36: {  	[tilespmem:$0x4EB0] =	vst v1  }
0x37: {  	[tilespmem:$0x4F30] =	vst v2  }
0x38: {  	[tilespmem:$0x4EC0] =	vst v1  }
0x39: {  	[tilespmem:$0x4F40] =	vst v2  }
0x3a: {  	[tilespmem:$0x4ED0] =	vst v1  }
0x3b: {  	[tilespmem:$0x4F50] =	vst v2  }
0x3c: {  	[tilespmem:$0x4EE0] =	vst v1  }
0x3d: {  	[tilespmem:$0x4F60] =	vst v2  }
0x3e: {  	[tilespmem:$0x4EF0] =	vst v1  }
0x3f: {  	[tilespmem:$0x4F70] =	vst v2  }
0x40: {  	[tilespmem:$0x4F80] =	vst v1  }
0x41: {  	[tilespmem:$0x5000] =	vst v2  }
0x42: {  	[tilespmem:$0x4F90] =	vst v1  }
0x43: {  	[tilespmem:$0x5010] =	vst v2  }
0x44: {  	[tilespmem:$0x4FA0] =	vst v1  }
0x45: {  	[tilespmem:$0x5020] =	vst v2  }
0x46: {  	[tilespmem:$0x4FB0] =	vst v1  }
0x47: {  	[tilespmem:$0x5030] =	vst v2  }
0x48: {  	[tilespmem:$0x4FC0] =	vst v1  }
0x49: {  	[tilespmem:$0x5040] =	vst v2  }
0x4a: {  	[tilespmem:$0x4FD0] =	vst v1  }
0x4b: {  	[tilespmem:$0x5050] =	vst v2  }
0x4c: {  	[tilespmem:$0x4FE0] =	vst v1  }
0x4d: {  	[tilespmem:$0x5060] =	vst v2  }
0x4e: {  	[tilespmem:$0x4FF0] =	vst v1  }
0x4f: {  	s1 =	simm.s32 $0x4E80;
	[tilespmem:$0x5070] =	vst v2  }
0x50: {  	[hbm4b:s7+s0] =	stream.linear.scatter [tilespmem:s1], [sflag:$0x3], $0x80, $0x38;
	[tilespmem:$0xCB00] =	vst v63  }
0x51: {  	s28 =	sadd.s32 $0x10, s7;
	s31 =	simm.s32 $0x4F80  }
0x52: {  	[hbm4b:s28+s0] =	stream.linear.scatter [tilespmem:s31], [sflag:$0x3], $0x80, $0x38;
	[tilespmem:$0xCB00] =	vst v63  }
0x53: {  	_ =	swait.ge [sflag:s22], $0x100  }
0x54: {  	[sflag:s22] =	ssyncset.done $0x0  }
0x55: {  	s29 =	simm.s32 $0x4F00;
	[sflag:s22] =	ssyncadd.s32 $0xFFFFFF00  }
0x56: {  	[hbm4b:s8+s0] =	stream.linear.scatter [tilespmem:s29], [sflag:$0x3], $0x80, $0x38;
	[tilespmem:$0xCB00] =	vst v63  }
0x57: {  	s28 =	sadd.s32 $0x10, s8;
	s31 =	simm.s32 $0x5000  }
0x58: {  	[hbm4b:s28+s0] =	stream.linear.scatter [tilespmem:s31], [sflag:$0x3], $0x80, $0x38;
	[tilespmem:$0xCB00] =	vst v63  }
0x59: {  	_ =	swait.ge [sflag:s22], $0x100  }
0x5a: {  	[sflag:s22] =	ssyncset.done $0x0  }
0x5b: {  	s28 =	simm.s32 $0x0;
	s0 =	simm.s32 $0x40;
	[sflag:s22] =	ssyncadd.s32 $0xFFFFFF00  }
.LBB2_4:
0x5c: {  	p1 =	sne.s32 s0, $0x9BC0;
	v4 =	vld [tilespmem:s28+$0x0];
	_ =	sdelay $0x3  }
.Ltmp1:
0x5d: {  	(pc) =	sbr.rel @p1 .LBB2_4-.Ltmp1, $2  }
0x5e: {  	_ =	sdelay $0x2  }
0x5f: {  	s28 =	sshra.s32 s0, $0x2;
	s0 =	sadd.s32 $0x40, s0;
	[tilespmem:v4+s30+$0x0] =	vst.idx.add.f32.msk $0xffff, v3  }
0x60: {  	v4 =	vld [tilespmem:s28+$0x0];
	_ =	sdelay $0x7  }
0x61: {  	s0 =	simm.s32 @!p0 $0x0;
	s28 =	simm.s32 @!p0 $0x4E00;
	s29 =	simm.s32 @!p0 $0x3;
	[tilespmem:v4+s30+$0x0] =	vst.idx.add.f32.msk $0xffff, v3  }
0x62: {  	[tilespmem:s28], [sflag:$0x3] =	stream.linear.gather @!p0 [hbm4b:s9+s0], $0x80, $0x38;
	[tilespmem:$0xCB00] =	vst v63  }
0x63: {  	_ =	swait.ge @!p0 [sflag:s29], $0x80  }
0x64: {  	[sflag:s29] =	ssyncset.done @!p0 $0x0  }
0x65: {  	[sflag:s29] =	ssyncadd.s32 @!p0 $0xFFFFFF80  }
0x66: {  	[hbm4b:s10+s0] =	stream.linear.scatter @!p0 [tilespmem:s28], [sflag:$0x3], $0x80, $0x38;
	[tilespmem:$0xCB00] =	vst v63  }
0x67: {  	_ =	swait.ge @!p0 [sflag:s29], $0x80  }
0x68: {  	[sflag:s29] =	ssyncset.done @!p0 $0x0  }
0x69: {  	[sflag:s29] =	ssyncadd.s32 @!p0 $0xFFFFFF80  }
0x6a: {  	v4 =	vld @!p0 [tilespmem:$0x4E00];
	_ =	sdelay $0x6  }
0x6b: {  	v5 =	vimm.f32 @!p0 $1.000000000e+00;
	s31 =	simm.s32 @!p0 $0x5080  }
0x6c: {  	[tilespmem:v4+s31+$0x0] =	vst.idx.add.f32.msk @!p0 $0xffff, v5  }
0x6d: {  	v4 =	vld @!p0 [tilespmem:$0x4E10];
	_ =	sdelay $0x7  }
0x6e: {  	[tilespmem:v4+s31+$0x0] =	vst.idx.add.f32.msk @!p0 $0xffff, v5  }
0x6f: {  	v4 =	vld @!p0 [tilespmem:$0x4E20];
	_ =	sdelay $0x7  }
0x70: {  	[tilespmem:v4+s31+$0x0] =	vst.idx.add.f32.msk @!p0 $0xffff, v5  }
0x71: {  	v4 =	vld @!p0 [tilespmem:$0x4E30];
	_ =	sdelay $0x7  }
0x72: {  	[tilespmem:v4+s31+$0x0] =	vst.idx.add.f32.msk @!p0 $0xffff, v5  }
0x73: {  	v4 =	vld @!p0 [tilespmem:$0x4E40];
	_ =	sdelay $0x7  }
0x74: {  	[tilespmem:v4+s31+$0x0] =	vst.idx.add.f32.msk @!p0 $0xffff, v5  }
0x75: {  	v4 =	vld @!p0 [tilespmem:$0x4E50];
	_ =	sdelay $0x7  }
0x76: {  	[tilespmem:v4+s31+$0x0] =	vst.idx.add.f32.msk @!p0 $0xffff, v5  }
0x77: {  	v4 =	vld @!p0 [tilespmem:$0x4E60];
	_ =	sdelay $0x7  }
0x78: {  	[tilespmem:v4+s31+$0x0] =	vst.idx.add.f32.msk @!p0 $0xffff, v5  }
0x79: {  	v4 =	vld @!p0 [tilespmem:$0x4E70];
	_ =	sdelay $0x7  }
0x7a: {  	[tilespmem:v4+s31+$0x0] =	vst.idx.add.f32.msk @!p0 $0xffff, v5  }
0x7b: {  	[tilespmem:s28], [sflag:$0x3] =	stream.linear.gather @!p0 [hbm4b:s11+s0], $0x80, $0x38;
	[tilespmem:$0xCB00] =	vst v63  }
0x7c: {  	_ =	swait.ge @!p0 [sflag:s29], $0x80  }
0x7d: {  	[sflag:s29] =	ssyncset.done @!p0 $0x0  }
0x7e: {  	[sflag:s29] =	ssyncadd.s32 @!p0 $0xFFFFFF80  }
0x7f: {  	[hbm4b:s12+s0] =	stream.linear.scatter @!p0 [tilespmem:s28], [sflag:$0x3], $0x80, $0x38;
	[tilespmem:$0xCB00] =	vst v63  }
0x80: {  	_ =	swait.ge @!p0 [sflag:s29], $0x80  }
0x81: {  	[sflag:s29] =	ssyncset.done @!p0 $0x0  }
0x82: {  	s28 =	simm.s32 @!p0 $0x4E80;
	[sflag:s29] =	ssyncadd.s32 @!p0 $0xFFFFFF80  }
0x83: {  	[hbm4b:s13+s0] =	stream.linear.scatter @!p0 [tilespmem:s28], [sflag:$0x3], $0x80, $0x38;
	[tilespmem:$0xCB00] =	vst v63  }
0x84: {  	_ =	swait.ge @!p0 [sflag:s29], $0x80  }
0x85: {  	[sflag:s29] =	ssyncset.done @!p0 $0x0  }
0x86: {  	s28 =	simm.s32 @!p0 $0x4F00;
	[sflag:s29] =	ssyncadd.s32 @!p0 $0xFFFFFF80  }
0x87: {  	[hbm4b:s14+s0] =	stream.linear.scatter @!p0 [tilespmem:s28], [sflag:$0x3], $0x80, $0x38;
	[tilespmem:$0xCB00] =	vst v63  }
0x88: {  	_ =	swait.ge @!p0 [sflag:s29], $0x80  }
0x89: {  	[sflag:s29] =	ssyncset.done @!p0 $0x0  }
0x8a: {  	s1 =	simm.s32 $0x400;
	[sflag:s29] =	ssyncadd.s32 @!p0 $0xFFFFFF80  }
0x8b: {  	[spmem:s15] =	stream.strided.scatter [tilespmem:s30], [sflag:$0x3], $0x2800, s1, s18, $0x38;
	[tilespmem:$0xCB00] =	vst v63  }
0x8c: {  	_ =	swait.ge [sflag:s22], $0x2800  }
0x8d: {  	[sflag:s22] =	ssyncset.done $0x0  }
0x8e: {  	[sflag:s22] =	ssyncadd.s32 $0xFFFFD800  }
0x8f: {  	s0 =	simm.s32 $0x1400;
	s1 =	simm.s32 $0x14000;
	[bflag:$0x0] =	sbarrier.arrive $0xFFFF  }
0x90: {  	[tilespmem:s2], [sflag:$0x3] =	stream.strided.gather [spmem:s16], $0x2800, s1, s0, $0x38;
	[tilespmem:$0xCB00] =	vst v63  }
0x91: {  	s1 =	simm.s32 $0x0;
	_ =	swait.ge [sflag:s22], $0x2800  }
0x92: {  	s28 =	sand.u32 $0x70, s1;
	s0 =	sand.u32 $0x1C00, s1;
	[sflag:s22] =	ssyncset.done $0x0  }
0x93: {  	s0 =	sor.u32 s28, s0;
	[sflag:s22] =	ssyncadd.s32 $0xFFFFD800  }
0x94: {  	v4 =	vld [tilespmem:s0+$0x7900]  }
0x95: {  	v5 =	vld [tilespmem:s0+$0x7880];
	_ =	sdelay $0x1  }
0x96: {  	v6 =	vld [tilespmem:s0+$0x7980];
	_ =	sdelay $0x1  }
0x97: {  	v7 =	vld [tilespmem:s0+$0x7A00]  }
0x98: {  	v4 =	vadd.f32 v4, v5  }
0x99: {  	v5 =	vld [tilespmem:s0+$0x7A80]  }
0x9a: {  	v4 =	vadd.f32 v6, v4  }
0x9b: {  	v56 =	vld [tilespmem:s0+$0x7B00]  }
0x9c: {  	v4 =	vadd.f32 v7, v4  }
0x9d: {  	v57 =	vld [tilespmem:s0+$0x7B80]  }
0x9e: {  	v4 =	vadd.f32 v5, v4  }
0x9f: {  	v5 =	vld [tilespmem:s0+$0x7C00]  }
0xa0: {  	v4 =	vadd.f32 v56, v4  }
0xa1: {  	v58 =	vld [tilespmem:s0+$0x8C80]  }
0xa2: {  	v4 =	vadd.f32 v57, v4  }
0xa3: {  	v59 =	vld [tilespmem:s0+$0x8D00]  }
0xa4: {  	v4 =	vadd.f32 v5, v4  }
0xa5: {  	v5 =	vld [tilespmem:s0+$0x8D80]  }
0xa6: {  	v4 =	vadd.f32 v58, v4  }
0xa7: {  	v60 =	vld [tilespmem:s0+$0x8E00]  }
0xa8: {  	v4 =	vadd.f32 v59, v4  }
0xa9: {  	v61 =	vld [tilespmem:s0+$0x8E80]  }
0xaa: {  	v4 =	vadd.f32 v5, v4  }
0xab: {  	v5 =	vld [tilespmem:s0+$0x8F00]  }
0xac: {  	v4 =	vadd.f32 v60, v4  }
0xad: {  	v62 =	vld [tilespmem:s0+$0x8F80]  }
0xae: {  	v4 =	vadd.f32 v61, v4  }
0xaf: {  	v63 =	vld [tilespmem:s0+$0x9000]  }
0xb0: {  	v4 =	vadd.f32 v5, v4;
	_ =	sdelay $0x1  }
0xb1: {  	v4 =	vadd.f32 v62, v4;
	_ =	sdelay $0x1  }
0xb2: {  	s31 =	simm.s32 $0x80;
	s1 =	simm.s32 $0x10;
	v4 =	vadd.f32 v63, v4  }
0xb3: {  	s29 =	sand.u32 $0x1C00, s31;
	s28 =	simm.s32 $0xA080;
	s0 =	sand.u32 $0x70, s1  }
0xb4: {  	s29 =	sor.u32 s0, s29;
	s0 =	simm.s32 $0x20;
	[tilespmem:s28+$0x0] =	vst v4  }
.LBB2_6:
0xb5: {  	p1 =	sne.s32 s0, $0x270;
	v4 =	vld [tilespmem:s29+$0x7900]  }
0xb6: {  	v5 =	vld [tilespmem:s29+$0x7880];
	_ =	sdelay $0x1  }
0xb7: {  	v6 =	vld [tilespmem:s29+$0x7980];
	_ =	sdelay $0x1  }
0xb8: {  	v7 =	vld [tilespmem:s29+$0x7A00]  }
0xb9: {  	v4 =	vadd.f32 v4, v5  }
0xba: {  	v5 =	vld [tilespmem:s29+$0x7A80]  }
0xbb: {  	v4 =	vadd.f32 v6, v4  }
0xbc: {  	v6 =	vld [tilespmem:s29+$0x7B00]  }
0xbd: {  	v4 =	vadd.f32 v7, v4  }
0xbe: {  	v7 =	vld [tilespmem:s29+$0x7B80]  }
0xbf: {  	v4 =	vadd.f32 v5, v4  }
0xc0: {  	v5 =	vld [tilespmem:s29+$0x7C00]  }
0xc1: {  	v4 =	vadd.f32 v6, v4  }
0xc2: {  	v6 =	vld [tilespmem:s29+$0x8C80]  }
0xc3: {  	v4 =	vadd.f32 v7, v4  }
0xc4: {  	v7 =	vld [tilespmem:s29+$0x8D00]  }
0xc5: {  	v4 =	vadd.f32 v5, v4  }
0xc6: {  	v5 =	vld [tilespmem:s29+$0x8D80]  }
0xc7: {  	v4 =	vadd.f32 v6, v4  }
0xc8: {  	v6 =	vld [tilespmem:s29+$0x8E00]  }
0xc9: {  	v4 =	vadd.f32 v7, v4  }
0xca: {  	v7 =	vld [tilespmem:s29+$0x8E80]  }
0xcb: {  	v4 =	vadd.f32 v5, v4  }
0xcc: {  	v5 =	vld [tilespmem:s29+$0x8F00]  }
0xcd: {  	v4 =	vadd.f32 v6, v4  }
0xce: {  	v6 =	vld [tilespmem:s29+$0x8F80]  }
0xcf: {  	v4 =	vadd.f32 v7, v4  }
0xd0: {  	v7 =	vld [tilespmem:s29+$0x9000]  }
0xd1: {  	v4 =	vadd.f32 v5, v4;
	_ =	sdelay $0x1  }
.Ltmp2:
0xd2: {  	v4 =	vadd.f32 v6, v4;
	(pc) =	sbr.rel @p1 .LBB2_6-.Ltmp2, $4  }
0xd3: {  	_ = 	snop  }
0xd4: {  	s31 =	sadd.s32 $0x80, s31;
	v4 =	vadd.f32 v7, v4  }
0xd5: {  	s28 =	sadd.s32 $0x10, s28;
	s1 =	sand.u32 $0x1C00, s31;
	s29 =	sand.u32 $0x70, s0  }
0xd6: {  	s0 =	sadd.s32 $0x10, s0;
	s29 =	sor.u32 s29, s1;
	[tilespmem:s28+$0x0] =	vst v4  }
0xd7: {  	v4 =	vld [tilespmem:s29+$0x7900]  }
0xd8: {  	v5 =	vld [tilespmem:s29+$0x7880];
	_ =	sdelay $0x1  }
0xd9: {  	v6 =	vld [tilespmem:s29+$0x7980];
	_ =	sdelay $0x1  }
0xda: {  	v7 =	vld [tilespmem:s29+$0x7A00]  }
0xdb: {  	v4 =	vadd.f32 v4, v5  }
0xdc: {  	v5 =	vld [tilespmem:s29+$0x7A80]  }
0xdd: {  	v4 =	vadd.f32 v6, v4  }
0xde: {  	v56 =	vld [tilespmem:s29+$0x7B00]  }
0xdf: {  	v4 =	vadd.f32 v7, v4  }
0xe0: {  	v57 =	vld [tilespmem:s29+$0x7B80]  }
0xe1: {  	v4 =	vadd.f32 v5, v4  }
0xe2: {  	v5 =	vld [tilespmem:s29+$0x7C00]  }
0xe3: {  	v4 =	vadd.f32 v56, v4  }
0xe4: {  	v58 =	vld [tilespmem:s29+$0x8C80]  }
0xe5: {  	v4 =	vadd.f32 v57, v4  }
0xe6: {  	v59 =	vld [tilespmem:s29+$0x8D00]  }
0xe7: {  	v4 =	vadd.f32 v5, v4  }
0xe8: {  	v5 =	vld [tilespmem:s29+$0x8D80]  }
0xe9: {  	v4 =	vadd.f32 v58, v4  }
0xea: {  	v60 =	vld [tilespmem:s29+$0x8E00]  }
0xeb: {  	v4 =	vadd.f32 v59, v4  }
0xec: {  	v61 =	vld [tilespmem:s29+$0x8E80]  }
0xed: {  	v4 =	vadd.f32 v5, v4  }
0xee: {  	v5 =	vld [tilespmem:s29+$0x8F00]  }
0xef: {  	v4 =	vadd.f32 v60, v4  }
0xf0: {  	v62 =	vld [tilespmem:s29+$0x8F80]  }
0xf1: {  	v4 =	vadd.f32 v61, v4  }
0xf2: {  	v63 =	vld [tilespmem:s29+$0x9000]  }
0xf3: {  	v4 =	vadd.f32 v5, v4;
	_ =	sdelay $0x1  }
0xf4: {  	v4 =	vadd.f32 v62, v4;
	_ =	sdelay $0x1  }
0xf5: {  	s26 =	sadd.s32 $0x1, s26;
	v4 =	vadd.f32 v63, v4  }
0xf6: {  	s0 =	sadd.s32 $0x10, s28;
	p1 =	sne.s32 s26, s17  }
.Ltmp3:
0xf7: {  	[tilespmem:s0+$0x0] =	vst v4;
	(pc) =	sbr.rel @p1 .LBB2_1-.Ltmp3, $4  }
0xf8: {  	[hbm4b:s24+s18] =	stream.strided.scatter [tilespmem:s25], [sflag:$0x3], $0x280, s19, s18, $0x38;
	[tilespmem:$0xCB00] =	vst v63  }
0xf9: {  	_ =	swait.ge [sflag:s22], $0x280  }
0xfa: {  	[sflag:s22] =	ssyncset.done $0x0  }
0xfb: {  	[sflag:s22] =	ssyncadd.s32 $0xFFFFFD80  }
0xfc: {  	_ =	sfence.sel $0x180000  }
0xfd: {  	[bflag:$0x0] =	sbarrier.arrive $0xFFFF  }
0xfe: {  	_ =	strace $0x90000047  }
0xff: {  	s0 =	stileid.u32;
	[bflag:$0x2] =	sbarrier.arrive $0xFFFF  }
0x100: {  	p0 =	sne.s32 s0, $0x0;
	s0 =	rddreg [dreg:$0x5]  }
0x101: {  	s0 =	sadd.s32 @!p0 $0x100000, s0  }
0x102: {  	[sflag:s0] =	ssyncadd.tile.s32 @!p0 $0x1;
	_ =	shalt  }
.Lfunc_end2:
_tile_overlayer_lowered:
.L_overlay_start_2:
0x103: {  	(tag) =	ssettag $0x2  }
0x104: {  	s0 =	rddreg [dreg:$0x0];
	s2 =	stileid.u32  }
0x105: {  	s1 =	rddreg [dreg:$0x1];
	p0 =	sne.s32 s2, $0x0  }
0x106: {  	s3 =	rddreg [dreg:$0x2];
	[bflag:$0x3] =	sbarrier.arrive $0xFFFF;
	s2 =	simm.s32 @!p0 $0x1C03  }
0x107: {  	[timem:s3], [sflag:s2] =	dma.local @!p0 [hbm:s0], s1  }
0x108: {  	s0 =	simm.s32 @!p0 $0x3  }
0x109: {  	_ =	swait.ge @!p0 [sflag:s0], s1  }
0x10a: {  	s1 =	ssub.s32 @!p0 $0x0, s1;
	[sflag:s0] =	ssyncset.done @!p0 $0x0  }
0x10b: {  	[sflag:s0] =	ssyncadd.s32 @!p0 s1  }
0x10c: {  	[bflag:$0x3] =	sbarrier.arrive $0xFFFF  }
0x10d: {  	_ =	shalt  }

</sc_bundles>
